<compile_context>
chip_gen: v7x
topology: tpu7x:2x2x1
jax: 0.10.2.dev20260603
libtpu: 0.0.44.dev20260713+nightly
codegen_flags: <defaults>
</compile_context>

<pallas_src>
import jax
from jax import lax
from jax.experimental import pallas as pl
from jax.experimental.pallas import tpu as pltpu
from jax.experimental.pallas import tpu_sc as plsc
from jax._src.pallas import mpmd

_INFO = plsc.get_sparse_core_info()
_NC = _INFO.num_cores
_NS = _INFO.num_subcores
_NW = _NC * _NS

_SCS_ROWS = 1536

_S_CHUNK = 128
_S_NBUF = 3
_S_AHEAD = 2

_T_CHUNK = 8
_T_NBUF = 4
_T_AHEAD = 2


def _ring_copy(src_hbm, dst_hbm, buf, gsem, ssem, base, rows, chunk, nbuf,
               ahead):
    nchunks = rows // chunk

    def gather(j):
        g = pltpu.make_async_copy(
            src_hbm.at[pl.ds(base + j * chunk, chunk)], buf.at[j % nbuf], gsem)
        g.start()
        return g

    gaths, scats = [], []
    for j in range(min(ahead, nchunks)):
        gaths.append(gather(j))
    for i in range(nchunks):
        gaths[i].wait()
        s = pltpu.make_async_copy(
            buf.at[i % nbuf], dst_hbm.at[pl.ds(base + i * chunk, chunk)], ssem)
        s.start()
        scats.append(s)
        j = i + ahead
        if j < nchunks:
            if j >= nbuf:
                scats[j - nbuf].wait()
            gaths.append(gather(j))
    for s in scats[-min(nbuf, nchunks):]:
        s.wait()


def _scs_body(table_hbm, out_hbm, sbuf):
    rows_per_c = _SCS_ROWS // _NC
    cid = lax.axis_index("c")

    def inner(gsem, ssem):
        _ring_copy(table_hbm, out_hbm, sbuf, gsem, ssem, cid * rows_per_c,
                   rows_per_c, _S_CHUNK, _S_NBUF, _S_AHEAD)

    pl.run_scoped(inner, pltpu.SemaphoreType.DMA, pltpu.SemaphoreType.DMA)


def _tec_body(table_hbm, out_hbm, sbuf):
    del sbuf
    total_rows = table_hbm.shape[0]
    rows_per_w = (total_rows - _SCS_ROWS) // _NW
    wid = lax.axis_index("s") * _NC + lax.axis_index("c")
    d_model = table_hbm.shape[1]

    def inner(buf, gsem, ssem):
        _ring_copy(table_hbm, out_hbm, buf, gsem, ssem,
                   _SCS_ROWS + wid * rows_per_w, rows_per_w, _T_CHUNK, _T_NBUF,
                   _T_AHEAD)

    pl.run_scoped(inner, pltpu.VMEM((_T_NBUF, _T_CHUNK, d_model),
                                    table_hbm.dtype),
                  pltpu.SemaphoreType.DMA, pltpu.SemaphoreType.DMA)


def kernel(x, table):
    seq_len = x.shape[1]
    d_model = table.shape[1]
    scalar_mesh = plsc.ScalarSubcoreMesh(axis_name="c", num_cores=_NC)
    vector_mesh = plsc.VectorSubcoreMesh(core_axis_name="c",
                                         subcore_axis_name="s")
    out = mpmd.mpmd_map(
        [(scalar_mesh, _scs_body), (vector_mesh, _tec_body)],
        out_types=jax.ShapeDtypeStruct((seq_len, d_model), table.dtype),
        scratch_types=[
            pltpu.VMEM_SHARED((_S_NBUF, _S_CHUNK, d_model), table.dtype),
        ],
    )(table[:seq_len])
    return out[None]

# --- scband reference (transcript-rebuilt; emitter-appended) ---
"""Pipeline reference for scband-positional-embedding-73864847556736 (READ-ONLY COPY).

The authoritative reference and input builder live on the scoring server;
editing this copy changes nothing except your own understanding.
"""

import jax, jax.numpy as jnp
import numpy as np

MAX_SEQ_LEN = 4096
D_MODEL = 2048

def setup_inputs(seed: int = 0) -> dict:
    key = jax.random.key(seed)
    k1, k2 = jax.random.split(key)
    x = jax.random.normal(k1, (2, 4096, 2048), dtype=jnp.float32)
    table = jax.random.normal(k2, (MAX_SEQ_LEN, D_MODEL), dtype=jnp.float32) * 0.02
    return {"x": x, "table": table}

def reference(x, table):
    seq_len = x.shape[1]
    positions = jnp.arange(seq_len)[None, :]  # [1, seq_len]
    out = jnp.take(table, positions, axis=0)  # [1, seq_len, d_model]
    return out

if __name__ == "__main__":
    import jax
    _d = setup_inputs()
    print(jax.jit(kernel)(*tuple(_d.values())))

</pallas_src>

<mosaic_0001>
#map = affine_map<(d0) -> (0, 0)>
#map1 = affine_map<(d0, d1) -> (0, 0)>
module attributes {stable_mosaic.version = 14 : i64} {
  func.func @_scs_body(%arg0: i32, %arg1: memref<4096x2048xf32, #tpu.memory_space<hbm>>, %arg2: memref<4096x2048xf32, #tpu.memory_space<hbm>>, %arg3: memref<3x128x2048xf32, #tpu.memory_space<vmem_shared>>) attributes {dimension_semantics = [#tpu.dimension_semantics<core_parallel>], iteration_bounds = array<i64: 2>, scalar_prefetch = 0 : i64, scratch_operands = 1 : i64, tpu.core_type = #tpu.core_type<sc_scalar_subcore>, window_params = [{transform_indices = #map}, {transform_indices = #map}]} {
    "tpu.region"() ({
      %run_scoped3A = tpu.sem_alloc : memref<!tpu.dma_semaphore, #tpu.memory_space<semaphore_mem>>
      %run_scoped3A_0 = tpu.sem_alloc : memref<!tpu.dma_semaphore, #tpu.memory_space<semaphore_mem>>
      %mul3A = arith.constant 768 : i32
      %mul3A_1 = arith.muli %arg0, %mul3A : i32
      %add3A = arith.constant 0 : i32
      %add3A_2 = arith.addi %mul3A_1, %add3A : i32
      %dma_start3A = arith.constant 0 : i32
      %dma_start3A_3 = arith.constant 0 : i32
      %dma_start3A_4 = arith.constant 0 : i32
      %dma_start3A_5 = tpu.memref_slice %arg3[%dma_start3A, %dma_start3A_3, %dma_start3A_4] : memref<3x128x2048xf32, #tpu.memory_space<vmem_shared>> -> memref<1x128x2048xf32, #tpu.memory_space<vmem_shared>>
      %dma_start3A_6 = tpu.memref_squeeze %dma_start3A_5 : memref<1x128x2048xf32, #tpu.memory_space<vmem_shared>> -> memref<128x2048xf32, #tpu.memory_space<vmem_shared>>
      %dma_start3A_7 = arith.constant 0 : i32
      %dma_start3A_8 = tpu.memref_slice %arg1[%add3A_2, %dma_start3A_7] : memref<4096x2048xf32, #tpu.memory_space<hbm>> -> memref<128x2048xf32, #tpu.memory_space<hbm>>
      tpu.enqueue_dma source(%dma_start3A_8 : memref<128x2048xf32, #tpu.memory_space<hbm>>) target(%dma_start3A_6 : memref<128x2048xf32, #tpu.memory_space<vmem_shared>>) target_semaphore(%run_scoped3A : memref<!tpu.dma_semaphore, #tpu.memory_space<semaphore_mem>>)
      %add3A_9 = arith.constant 128 : i32
      %add3A_10 = arith.addi %mul3A_1, %add3A_9 : i32
      %dma_start3A_11 = arith.constant 1 : i32
      %dma_start3A_12 = arith.constant 0 : i32
      %dma_start3A_13 = arith.constant 0 : i32
      %dma_start3A_14 = tpu.memref_slice %arg3[%dma_start3A_11, %dma_start3A_12, %dma_start3A_13] : memref<3x128x2048xf32, #tpu.memory_space<vmem_shared>> -> memref<1x128x2048xf32, #tpu.memory_space<vmem_shared>>
      %dma_start3A_15 = tpu.memref_squeeze %dma_start3A_14 : memref<1x128x2048xf32, #tpu.memory_space<vmem_shared>> -> memref<128x2048xf32, #tpu.memory_space<vmem_shared>>
      %dma_start3A_16 = arith.constant 0 : i32
      %dma_start3A_17 = tpu.memref_slice %arg1[%add3A_10, %dma_start3A_16] : memref<4096x2048xf32, #tpu.memory_space<hbm>> -> memref<128x2048xf32, #tpu.memory_space<hbm>>
      tpu.enqueue_dma source(%dma_start3A_17 : memref<128x2048xf32, #tpu.memory_space<hbm>>) target(%dma_start3A_15 : memref<128x2048xf32, #tpu.memory_space<vmem_shared>>) target_semaphore(%run_scoped3A : memref<!tpu.dma_semaphore, #tpu.memory_space<semaphore_mem>>)
      %dma_wait3A = arith.constant 0 : i32
      %dma_wait3A_18 = arith.constant 0 : i32
      %dma_wait3A_19 = arith.constant 0 : i32
      %dma_wait3A_20 = tpu.memref_slice %arg3[%dma_wait3A, %dma_wait3A_18, %dma_wait3A_19] : memref<3x128x2048xf32, #tpu.memory_space<vmem_shared>> -> memref<1x128x2048xf32, #tpu.memory_space<vmem_shared>>
      %dma_wait3A_21 = tpu.memref_squeeze %dma_wait3A_20 : memref<1x128x2048xf32, #tpu.memory_space<vmem_shared>> -> memref<128x2048xf32, #tpu.memory_space<vmem_shared>>
      %dma_wait3A_22 = arith.constant 0 : i32
      %dma_wait3A_23 = tpu.memref_slice %arg1[%add3A_2, %dma_wait3A_22] : memref<4096x2048xf32, #tpu.memory_space<hbm>> -> memref<128x2048xf32, #tpu.memory_space<hbm>>
      tpu.wait_dma2 semaphore(%run_scoped3A : memref<!tpu.dma_semaphore, #tpu.memory_space<semaphore_mem>>) src(%dma_wait3A_23 : memref<128x2048xf32, #tpu.memory_space<hbm>>) dst(%dma_wait3A_21 : memref<128x2048xf32, #tpu.memory_space<vmem_shared>>)
      %add3A_24 = arith.constant 0 : i32
      %add3A_25 = arith.addi %mul3A_1, %add3A_24 : i32
      %dma_start3A_26 = arith.constant 0 : i32
      %dma_start3A_27 = arith.constant 0 : i32
      %dma_start3A_28 = tpu.memref_slice %arg2[%add3A_25, %dma_start3A_27] : memref<4096x2048xf32, #tpu.memory_space<hbm>> -> memref<128x2048xf32, #tpu.memory_space<hbm>>
      %dma_start3A_29 = arith.constant 0 : i32
      %dma_start3A_30 = arith.constant 0 : i32
      %dma_start3A_31 = tpu.memref_slice %arg3[%dma_start3A_26, %dma_start3A_29, %dma_start3A_30] : memref<3x128x2048xf32, #tpu.memory_space<vmem_shared>> -> memref<1x128x2048xf32, #tpu.memory_space<vmem_shared>>
      %dma_start3A_32 = tpu.memref_squeeze %dma_start3A_31 : memref<1x128x2048xf32, #tpu.memory_space<vmem_shared>> -> memref<128x2048xf32, #tpu.memory_space<vmem_shared>>
      tpu.enqueue_dma source(%dma_start3A_32 : memref<128x2048xf32, #tpu.memory_space<vmem_shared>>) target(%dma_start3A_28 : memref<128x2048xf32, #tpu.memory_space<hbm>>) target_semaphore(%run_scoped3A_0 : memref<!tpu.dma_semaphore, #tpu.memory_space<semaphore_mem>>)
      %add3A_33 = arith.constant 256 : i32
      %add3A_34 = arith.addi %mul3A_1, %add3A_33 : i32
      %dma_start3A_35 = arith.constant 2 : i32
      %dma_start3A_36 = arith.constant 0 : i32
      %dma_start3A_37 = arith.constant 0 : i32
      %dma_start3A_38 = tpu.memref_slice %arg3[%dma_start3A_35, %dma_start3A_36, %dma_start3A_37] : memref<3x128x2048xf32, #tpu.memory_space<vmem_shared>> -> memref<1x128x2048xf32, #tpu.memory_space<vmem_shared>>
      %dma_start3A_39 = tpu.memref_squeeze %dma_start3A_38 : memref<1x128x2048xf32, #tpu.memory_space<vmem_shared>> -> memref<128x2048xf32, #tpu.memory_space<vmem_shared>>
      %dma_start3A_40 = arith.constant 0 : i32
      %dma_start3A_41 = tpu.memref_slice %arg1[%add3A_34, %dma_start3A_40] : memref<4096x2048xf32, #tpu.memory_space<hbm>> -> memref<128x2048xf32, #tpu.memory_space<hbm>>
      tpu.enqueue_dma source(%dma_start3A_41 : memref<128x2048xf32, #tpu.memory_space<hbm>>) target(%dma_start3A_39 : memref<128x2048xf32, #tpu.memory_space<vmem_shared>>) target_semaphore(%run_scoped3A : memref<!tpu.dma_semaphore, #tpu.memory_space<semaphore_mem>>)
      %dma_wait3A_42 = arith.constant 1 : i32
      %dma_wait3A_43 = arith.constant 0 : i32
      %dma_wait3A_44 = arith.constant 0 : i32
      %dma_wait3A_45 = tpu.memref_slice %arg3[%dma_wait3A_42, %dma_wait3A_43, %dma_wait3A_44] : memref<3x128x2048xf32, #tpu.memory_space<vmem_shared>> -> memref<1x128x2048xf32, #tpu.memory_space<vmem_shared>>
      %dma_wait3A_46 = tpu.memref_squeeze %dma_wait3A_45 : memref<1x128x2048xf32, #tpu.memory_space<vmem_shared>> -> memref<128x2048xf32, #tpu.memory_space<vmem_shared>>
      %dma_wait3A_47 = arith.constant 0 : i32
      %dma_wait3A_48 = tpu.memref_slice %arg1[%add3A_10, %dma_wait3A_47] : memref<4096x2048xf32, #tpu.memory_space<hbm>> -> memref<128x2048xf32, #tpu.memory_space<hbm>>
      tpu.wait_dma2 semaphore(%run_scoped3A : memref<!tpu.dma_semaphore, #tpu.memory_space<semaphore_mem>>) src(%dma_wait3A_48 : memref<128x2048xf32, #tpu.memory_space<hbm>>) dst(%dma_wait3A_46 : memref<128x2048xf32, #tpu.memory_space<vmem_shared>>)
      %add3A_49 = arith.constant 128 : i32
      %add3A_50 = arith.addi %mul3A_1, %add3A_49 : i32
      %dma_start3A_51 = arith.constant 1 : i32
      %dma_start3A_52 = arith.constant 0 : i32
      %dma_start3A_53 = tpu.memref_slice %arg2[%add3A_50, %dma_start3A_52] : memref<4096x2048xf32, #tpu.memory_space<hbm>> -> memref<128x2048xf32, #tpu.memory_space<hbm>>
      %dma_start3A_54 = arith.constant 0 : i32
      %dma_start3A_55 = arith.constant 0 : i32
      %dma_start3A_56 = tpu.memref_slice %arg3[%dma_start3A_51, %dma_start3A_54, %dma_start3A_55] : memref<3x128x2048xf32, #tpu.memory_space<vmem_shared>> -> memref<1x128x2048xf32, #tpu.memory_space<vmem_shared>>
      %dma_start3A_57 = tpu.memref_squeeze %dma_start3A_56 : memref<1x128x2048xf32, #tpu.memory_space<vmem_shared>> -> memref<128x2048xf32, #tpu.memory_space<vmem_shared>>
      tpu.enqueue_dma source(%dma_start3A_57 : memref<128x2048xf32, #tpu.memory_space<vmem_shared>>) target(%dma_start3A_53 : memref<128x2048xf32, #tpu.memory_space<hbm>>) target_semaphore(%run_scoped3A_0 : memref<!tpu.dma_semaphore, #tpu.memory_space<semaphore_mem>>)
      %dma_wait3A_58 = arith.constant 0 : i32
      %dma_wait3A_59 = arith.constant 0 : i32
      %dma_wait3A_60 = tpu.memref_slice %arg2[%add3A_25, %dma_wait3A_59] : memref<4096x2048xf32, #tpu.memory_space<hbm>> -> memref<128x2048xf32, #tpu.memory_space<hbm>>
      %dma_wait3A_61 = arith.constant 0 : i32
      %dma_wait3A_62 = arith.constant 0 : i32
      %dma_wait3A_63 = tpu.memref_slice %arg3[%dma_wait3A_58, %dma_wait3A_61, %dma_wait3A_62] : memref<3x128x2048xf32, #tpu.memory_space<vmem_shared>> -> memref<1x128x2048xf32, #tpu.memory_space<vmem_shared>>
      %dma_wait3A_64 = tpu.memref_squeeze %dma_wait3A_63 : memref<1x128x2048xf32, #tpu.memory_space<vmem_shared>> -> memref<128x2048xf32, #tpu.memory_space<vmem_shared>>
      tpu.wait_dma2 semaphore(%run_scoped3A_0 : memref<!tpu.dma_semaphore, #tpu.memory_space<semaphore_mem>>) src(%dma_wait3A_64 : memref<128x2048xf32, #tpu.memory_space<vmem_shared>>) dst(%dma_wait3A_60 : memref<128x2048xf32, #tpu.memory_space<hbm>>)
      %add3A_65 = arith.constant 384 : i32
      %add3A_66 = arith.addi %mul3A_1, %add3A_65 : i32
      %dma_start3A_67 = arith.constant 0 : i32
      %dma_start3A_68 = arith.constant 0 : i32
      %dma_start3A_69 = arith.constant 0 : i32
      %dma_start3A_70 = tpu.memref_slice %arg3[%dma_start3A_67, %dma_start3A_68, %dma_start3A_69] : memref<3x128x2048xf32, #tpu.memory_space<vmem_shared>> -> memref<1x128x2048xf32, #tpu.memory_space<vmem_shared>>
      %dma_start3A_71 = tpu.memref_squeeze %dma_start3A_70 : memref<1x128x2048xf32, #tpu.memory_space<vmem_shared>> -> memref<128x2048xf32, #tpu.memory_space<vmem_shared>>
      %dma_start3A_72 = arith.constant 0 : i32
      %dma_start3A_73 = tpu.memref_slice %arg1[%add3A_66, %dma_start3A_72] : memref<4096x2048xf32, #tpu.memory_space<hbm>> -> memref<128x2048xf32, #tpu.memory_space<hbm>>
      tpu.enqueue_dma source(%dma_start3A_73 : memref<128x2048xf32, #tpu.memory_space<hbm>>) target(%dma_start3A_71 : memref<128x2048xf32, #tpu.memory_space<vmem_shared>>) target_semaphore(%run_scoped3A : memref<!tpu.dma_semaphore, #tpu.memory_space<semaphore_mem>>)
      %dma_wait3A_74 = arith.constant 2 : i32
      %dma_wait3A_75 = arith.constant 0 : i32
      %dma_wait3A_76 = arith.constant 0 : i32
      %dma_wait3A_77 = tpu.memref_slice %arg3[%dma_wait3A_74, %dma_wait3A_75, %dma_wait3A_76] : memref<3x128x2048xf32, #tpu.memory_space<vmem_shared>> -> memref<1x128x2048xf32, #tpu.memory_space<vmem_shared>>
      %dma_wait3A_78 = tpu.memref_squeeze %dma_wait3A_77 : memref<1x128x2048xf32, #tpu.memory_space<vmem_shared>> -> memref<128x2048xf32, #tpu.memory_space<vmem_shared>>
      %dma_wait3A_79 = arith.constant 0 : i32
      %dma_wait3A_80 = tpu.memref_slice %arg1[%add3A_34, %dma_wait3A_79] : memref<4096x2048xf32, #tpu.memory_space<hbm>> -> memref<128x2048xf32, #tpu.memory_space<hbm>>
      tpu.wait_dma2 semaphore(%run_scoped3A : memref<!tpu.dma_semaphore, #tpu.memory_space<semaphore_mem>>) src(%dma_wait3A_80 : memref<128x2048xf32, #tpu.memory_space<hbm>>) dst(%dma_wait3A_78 : memref<128x2048xf32, #tpu.memory_space<vmem_shared>>)
      %add3A_81 = arith.constant 256 : i32
      %add3A_82 = arith.addi %mul3A_1, %add3A_81 : i32
      %dma_start3A_83 = arith.constant 2 : i32
      %dma_start3A_84 = arith.constant 0 : i32
      %dma_start3A_85 = tpu.memref_slice %arg2[%add3A_82, %dma_start3A_84] : memref<4096x2048xf32, #tpu.memory_space<hbm>> -> memref<128x2048xf32, #tpu.memory_space<hbm>>
      %dma_start3A_86 = arith.constant 0 : i32
      %dma_start3A_87 = arith.constant 0 : i32
      %dma_start3A_88 = tpu.memref_slice %arg3[%dma_start3A_83, %dma_start3A_86, %dma_start3A_87] : memref<3x128x2048xf32, #tpu.memory_space<vmem_shared>> -> memref<1x128x2048xf32, #tpu.memory_space<vmem_shared>>
      %dma_start3A_89 = tpu.memref_squeeze %dma_start3A_88 : memref<1x128x2048xf32, #tpu.memory_space<vmem_shared>> -> memref<128x2048xf32, #tpu.memory_space<vmem_shared>>
      tpu.enqueue_dma source(%dma_start3A_89 : memref<128x2048xf32, #tpu.memory_space<vmem_shared>>) target(%dma_start3A_85 : memref<128x2048xf32, #tpu.memory_space<hbm>>) target_semaphore(%run_scoped3A_0 : memref<!tpu.dma_semaphore, #tpu.memory_space<semaphore_mem>>)
      %dma_wait3A_90 = arith.constant 1 : i32
      %dma_wait3A_91 = arith.constant 0 : i32
      %dma_wait3A_92 = tpu.memref_slice %arg2[%add3A_50, %dma_wait3A_91] : memref<4096x2048xf32, #tpu.memory_space<hbm>> -> memref<128x2048xf32, #tpu.memory_space<hbm>>
      %dma_wait3A_93 = arith.constant 0 : i32
      %dma_wait3A_94 = arith.constant 0 : i32
      %dma_wait3A_95 = tpu.memref_slice %arg3[%dma_wait3A_90, %dma_wait3A_93, %dma_wait3A_94] : memref<3x128x2048xf32, #tpu.memory_space<vmem_shared>> -> memref<1x128x2048xf32, #tpu.memory_space<vmem_shared>>
      %dma_wait3A_96 = tpu.memref_squeeze %dma_wait3A_95 : memref<1x128x2048xf32, #tpu.memory_space<vmem_shared>> -> memref<128x2048xf32, #tpu.memory_space<vmem_shared>>
      tpu.wait_dma2 semaphore(%run_scoped3A_0 : memref<!tpu.dma_semaphore, #tpu.memory_space<semaphore_mem>>) src(%dma_wait3A_96 : memref<128x2048xf32, #tpu.memory_space<vmem_shared>>) dst(%dma_wait3A_92 : memref<128x2048xf32, #tpu.memory_space<hbm>>)
      %add3A_97 = arith.constant 512 : i32
      %add3A_98 = arith.addi %mul3A_1, %add3A_97 : i32
      %dma_start3A_99 = arith.constant 1 : i32
      %dma_start3A_100 = arith.constant 0 : i32
      %dma_start3A_101 = arith.constant 0 : i32
      %dma_start3A_102 = tpu.memref_slice %arg3[%dma_start3A_99, %dma_start3A_100, %dma_start3A_101] : memref<3x128x2048xf32, #tpu.memory_space<vmem_shared>> -> memref<1x128x2048xf32, #tpu.memory_space<vmem_shared>>
      %dma_start3A_103 = tpu.memref_squeeze %dma_start3A_102 : memref<1x128x2048xf32, #tpu.memory_space<vmem_shared>> -> memref<128x2048xf32, #tpu.memory_space<vmem_shared>>
      %dma_start3A_104 = arith.constant 0 : i32
      %dma_start3A_105 = tpu.memref_slice %arg1[%add3A_98, %dma_start3A_104] : memref<4096x2048xf32, #tpu.memory_space<hbm>> -> memref<128x2048xf32, #tpu.memory_space<hbm>>
      tpu.enqueue_dma source(%dma_start3A_105 : memref<128x2048xf32, #tpu.memory_space<hbm>>) target(%dma_start3A_103 : memref<128x2048xf32, #tpu.memory_space<vmem_shared>>) target_semaphore(%run_scoped3A : memref<!tpu.dma_semaphore, #tpu.memory_space<semaphore_mem>>)
      %dma_wait3A_106 = arith.constant 0 : i32
      %dma_wait3A_107 = arith.constant 0 : i32
      %dma_wait3A_108 = arith.constant 0 : i32
      %dma_wait3A_109 = tpu.memref_slice %arg3[%dma_wait3A_106, %dma_wait3A_107, %dma_wait3A_108] : memref<3x128x2048xf32, #tpu.memory_space<vmem_shared>> -> memref<1x128x2048xf32, #tpu.memory_space<vmem_shared>>
      %dma_wait3A_110 = tpu.memref_squeeze %dma_wait3A_109 : memref<1x128x2048xf32, #tpu.memory_space<vmem_shared>> -> memref<128x2048xf32, #tpu.memory_space<vmem_shared>>
      %dma_wait3A_111 = arith.constant 0 : i32
      %dma_wait3A_112 = tpu.memref_slice %arg1[%add3A_66, %dma_wait3A_111] : memref<4096x2048xf32, #tpu.memory_space<hbm>> -> memref<128x2048xf32, #tpu.memory_space<hbm>>
      tpu.wait_dma2 semaphore(%run_scoped3A : memref<!tpu.dma_semaphore, #tpu.memory_space<semaphore_mem>>) src(%dma_wait3A_112 : memref<128x2048xf32, #tpu.memory_space<hbm>>) dst(%dma_wait3A_110 : memref<128x2048xf32, #tpu.memory_space<vmem_shared>>)
      %add3A_113 = arith.constant 384 : i32
      %add3A_114 = arith.addi %mul3A_1, %add3A_113 : i32
      %dma_start3A_115 = arith.constant 0 : i32
      %dma_start3A_116 = arith.constant 0 : i32
      %dma_start3A_117 = tpu.memref_slice %arg2[%add3A_114, %dma_start3A_116] : memref<4096x2048xf32, #tpu.memory_space<hbm>> -> memref<128x2048xf32, #tpu.memory_space<hbm>>
      %dma_start3A_118 = arith.constant 0 : i32
      %dma_start3A_119 = arith.constant 0 : i32
      %dma_start3A_120 = tpu.memref_slice %arg3[%dma_start3A_115, %dma_start3A_118, %dma_start3A_119] : memref<3x128x2048xf32, #tpu.memory_space<vmem_shared>> -> memref<1x128x2048xf32, #tpu.memory_space<vmem_shared>>
      %dma_start3A_121 = tpu.memref_squeeze %dma_start3A_120 : memref<1x128x2048xf32, #tpu.memory_space<vmem_shared>> -> memref<128x2048xf32, #tpu.memory_space<vmem_shared>>
      tpu.enqueue_dma source(%dma_start3A_121 : memref<128x2048xf32, #tpu.memory_space<vmem_shared>>) target(%dma_start3A_117 : memref<128x2048xf32, #tpu.memory_space<hbm>>) target_semaphore(%run_scoped3A_0 : memref<!tpu.dma_semaphore, #tpu.memory_space<semaphore_mem>>)
      %dma_wait3A_122 = arith.constant 2 : i32
      %dma_wait3A_123 = arith.constant 0 : i32
      %dma_wait3A_124 = tpu.memref_slice %arg2[%add3A_82, %dma_wait3A_123] : memref<4096x2048xf32, #tpu.memory_space<hbm>> -> memref<128x2048xf32, #tpu.memory_space<hbm>>
      %dma_wait3A_125 = arith.constant 0 : i32
      %dma_wait3A_126 = arith.constant 0 : i32
      %dma_wait3A_127 = tpu.memref_slice %arg3[%dma_wait3A_122, %dma_wait3A_125, %dma_wait3A_126] : memref<3x128x2048xf32, #tpu.memory_space<vmem_shared>> -> memref<1x128x2048xf32, #tpu.memory_space<vmem_shared>>
      %dma_wait3A_128 = tpu.memref_squeeze %dma_wait3A_127 : memref<1x128x2048xf32, #tpu.memory_space<vmem_shared>> -> memref<128x2048xf32, #tpu.memory_space<vmem_shared>>
      tpu.wait_dma2 semaphore(%run_scoped3A_0 : memref<!tpu.dma_semaphore, #tpu.memory_space<semaphore_mem>>) src(%dma_wait3A_128 : memref<128x2048xf32, #tpu.memory_space<vmem_shared>>) dst(%dma_wait3A_124 : memref<128x2048xf32, #tpu.memory_space<hbm>>)
      %add3A_129 = arith.constant 640 : i32
      %add3A_130 = arith.addi %mul3A_1, %add3A_129 : i32
      %dma_start3A_131 = arith.constant 2 : i32
      %dma_start3A_132 = arith.constant 0 : i32
      %dma_start3A_133 = arith.constant 0 : i32
      %dma_start3A_134 = tpu.memref_slice %arg3[%dma_start3A_131, %dma_start3A_132, %dma_start3A_133] : memref<3x128x2048xf32, #tpu.memory_space<vmem_shared>> -> memref<1x128x2048xf32, #tpu.memory_space<vmem_shared>>
      %dma_start3A_135 = tpu.memref_squeeze %dma_start3A_134 : memref<1x128x2048xf32, #tpu.memory_space<vmem_shared>> -> memref<128x2048xf32, #tpu.memory_space<vmem_shared>>
      %dma_start3A_136 = arith.constant 0 : i32
      %dma_start3A_137 = tpu.memref_slice %arg1[%add3A_130, %dma_start3A_136] : memref<4096x2048xf32, #tpu.memory_space<hbm>> -> memref<128x2048xf32, #tpu.memory_space<hbm>>
      tpu.enqueue_dma source(%dma_start3A_137 : memref<128x2048xf32, #tpu.memory_space<hbm>>) target(%dma_start3A_135 : memref<128x2048xf32, #tpu.memory_space<vmem_shared>>) target_semaphore(%run_scoped3A : memref<!tpu.dma_semaphore, #tpu.memory_space<semaphore_mem>>)
      %dma_wait3A_138 = arith.constant 1 : i32
      %dma_wait3A_139 = arith.constant 0 : i32
      %dma_wait3A_140 = arith.constant 0 : i32
      %dma_wait3A_141 = tpu.memref_slice %arg3[%dma_wait3A_138, %dma_wait3A_139, %dma_wait3A_140] : memref<3x128x2048xf32, #tpu.memory_space<vmem_shared>> -> memref<1x128x2048xf32, #tpu.memory_space<vmem_shared>>
      %dma_wait3A_142 = tpu.memref_squeeze %dma_wait3A_141 : memref<1x128x2048xf32, #tpu.memory_space<vmem_shared>> -> memref<128x2048xf32, #tpu.memory_space<vmem_shared>>
      %dma_wait3A_143 = arith.constant 0 : i32
      %dma_wait3A_144 = tpu.memref_slice %arg1[%add3A_98, %dma_wait3A_143] : memref<4096x2048xf32, #tpu.memory_space<hbm>> -> memref<128x2048xf32, #tpu.memory_space<hbm>>
      tpu.wait_dma2 semaphore(%run_scoped3A : memref<!tpu.dma_semaphore, #tpu.memory_space<semaphore_mem>>) src(%dma_wait3A_144 : memref<128x2048xf32, #tpu.memory_space<hbm>>) dst(%dma_wait3A_142 : memref<128x2048xf32, #tpu.memory_space<vmem_shared>>)
      %add3A_145 = arith.constant 512 : i32
      %add3A_146 = arith.addi %mul3A_1, %add3A_145 : i32
      %dma_start3A_147 = arith.constant 1 : i32
      %dma_start3A_148 = arith.constant 0 : i32
      %dma_start3A_149 = tpu.memref_slice %arg2[%add3A_146, %dma_start3A_148] : memref<4096x2048xf32, #tpu.memory_space<hbm>> -> memref<128x2048xf32, #tpu.memory_space<hbm>>
      %dma_start3A_150 = arith.constant 0 : i32
      %dma_start3A_151 = arith.constant 0 : i32
      %dma_start3A_152 = tpu.memref_slice %arg3[%dma_start3A_147, %dma_start3A_150, %dma_start3A_151] : memref<3x128x2048xf32, #tpu.memory_space<vmem_shared>> -> memref<1x128x2048xf32, #tpu.memory_space<vmem_shared>>
      %dma_start3A_153 = tpu.memref_squeeze %dma_start3A_152 : memref<1x128x2048xf32, #tpu.memory_space<vmem_shared>> -> memref<128x2048xf32, #tpu.memory_space<vmem_shared>>
      tpu.enqueue_dma source(%dma_start3A_153 : memref<128x2048xf32, #tpu.memory_space<vmem_shared>>) target(%dma_start3A_149 : memref<128x2048xf32, #tpu.memory_space<hbm>>) target_semaphore(%run_scoped3A_0 : memref<!tpu.dma_semaphore, #tpu.memory_space<semaphore_mem>>)
      %dma_wait3A_154 = arith.constant 2 : i32
      %dma_wait3A_155 = arith.constant 0 : i32
      %dma_wait3A_156 = arith.constant 0 : i32
      %dma_wait3A_157 = tpu.memref_slice %arg3[%dma_wait3A_154, %dma_wait3A_155, %dma_wait3A_156] : memref<3x128x2048xf32, #tpu.memory_space<vmem_shared>> -> memref<1x128x2048xf32, #tpu.memory_space<vmem_shared>>
      %dma_wait3A_158 = tpu.memref_squeeze %dma_wait3A_157 : memref<1x128x2048xf32, #tpu.memory_space<vmem_shared>> -> memref<128x2048xf32, #tpu.memory_space<vmem_shared>>
      %dma_wait3A_159 = arith.constant 0 : i32
      %dma_wait3A_160 = tpu.memref_slice %arg1[%add3A_130, %dma_wait3A_159] : memref<4096x2048xf32, #tpu.memory_space<hbm>> -> memref<128x2048xf32, #tpu.memory_space<hbm>>
      tpu.wait_dma2 semaphore(%run_scoped3A : memref<!tpu.dma_semaphore, #tpu.memory_space<semaphore_mem>>) src(%dma_wait3A_160 : memref<128x2048xf32, #tpu.memory_space<hbm>>) dst(%dma_wait3A_158 : memref<128x2048xf32, #tpu.memory_space<vmem_shared>>)
      %add3A_161 = arith.constant 640 : i32
      %add3A_162 = arith.addi %mul3A_1, %add3A_161 : i32
      %dma_start3A_163 = arith.constant 2 : i32
      %dma_start3A_164 = arith.constant 0 : i32
      %dma_start3A_165 = tpu.memref_slice %arg2[%add3A_162, %dma_start3A_164] : memref<4096x2048xf32, #tpu.memory_space<hbm>> -> memref<128x2048xf32, #tpu.memory_space<hbm>>
      %dma_start3A_166 = arith.constant 0 : i32
      %dma_start3A_167 = arith.constant 0 : i32
      %dma_start3A_168 = tpu.memref_slice %arg3[%dma_start3A_163, %dma_start3A_166, %dma_start3A_167] : memref<3x128x2048xf32, #tpu.memory_space<vmem_shared>> -> memref<1x128x2048xf32, #tpu.memory_space<vmem_shared>>
      %dma_start3A_169 = tpu.memref_squeeze %dma_start3A_168 : memref<1x128x2048xf32, #tpu.memory_space<vmem_shared>> -> memref<128x2048xf32, #tpu.memory_space<vmem_shared>>
      tpu.enqueue_dma source(%dma_start3A_169 : memref<128x2048xf32, #tpu.memory_space<vmem_shared>>) target(%dma_start3A_165 : memref<128x2048xf32, #tpu.memory_space<hbm>>) target_semaphore(%run_scoped3A_0 : memref<!tpu.dma_semaphore, #tpu.memory_space<semaphore_mem>>)
      %dma_wait3A_170 = arith.constant 0 : i32
      %dma_wait3A_171 = arith.constant 0 : i32
      %dma_wait3A_172 = tpu.memref_slice %arg2[%add3A_114, %dma_wait3A_171] : memref<4096x2048xf32, #tpu.memory_space<hbm>> -> memref<128x2048xf32, #tpu.memory_space<hbm>>
      %dma_wait3A_173 = arith.constant 0 : i32
      %dma_wait3A_174 = arith.constant 0 : i32
      %dma_wait3A_175 = tpu.memref_slice %arg3[%dma_wait3A_170, %dma_wait3A_173, %dma_wait3A_174] : memref<3x128x2048xf32, #tpu.memory_space<vmem_shared>> -> memref<1x128x2048xf32, #tpu.memory_space<vmem_shared>>
      %dma_wait3A_176 = tpu.memref_squeeze %dma_wait3A_175 : memref<1x128x2048xf32, #tpu.memory_space<vmem_shared>> -> memref<128x2048xf32, #tpu.memory_space<vmem_shared>>
      tpu.wait_dma2 semaphore(%run_scoped3A_0 : memref<!tpu.dma_semaphore, #tpu.memory_space<semaphore_mem>>) src(%dma_wait3A_176 : memref<128x2048xf32, #tpu.memory_space<vmem_shared>>) dst(%dma_wait3A_172 : memref<128x2048xf32, #tpu.memory_space<hbm>>)
      %dma_wait3A_177 = arith.constant 1 : i32
      %dma_wait3A_178 = arith.constant 0 : i32
      %dma_wait3A_179 = tpu.memref_slice %arg2[%add3A_146, %dma_wait3A_178] : memref<4096x2048xf32, #tpu.memory_space<hbm>> -> memref<128x2048xf32, #tpu.memory_space<hbm>>
      %dma_wait3A_180 = arith.constant 0 : i32
      %dma_wait3A_181 = arith.constant 0 : i32
      %dma_wait3A_182 = tpu.memref_slice %arg3[%dma_wait3A_177, %dma_wait3A_180, %dma_wait3A_181] : memref<3x128x2048xf32, #tpu.memory_space<vmem_shared>> -> memref<1x128x2048xf32, #tpu.memory_space<vmem_shared>>
      %dma_wait3A_183 = tpu.memref_squeeze %dma_wait3A_182 : memref<1x128x2048xf32, #tpu.memory_space<vmem_shared>> -> memref<128x2048xf32, #tpu.memory_space<vmem_shared>>
      tpu.wait_dma2 semaphore(%run_scoped3A_0 : memref<!tpu.dma_semaphore, #tpu.memory_space<semaphore_mem>>) src(%dma_wait3A_183 : memref<128x2048xf32, #tpu.memory_space<vmem_shared>>) dst(%dma_wait3A_179 : memref<128x2048xf32, #tpu.memory_space<hbm>>)
      %dma_wait3A_184 = arith.constant 2 : i32
      %dma_wait3A_185 = arith.constant 0 : i32
      %dma_wait3A_186 = tpu.memref_slice %arg2[%add3A_162, %dma_wait3A_185] : memref<4096x2048xf32, #tpu.memory_space<hbm>> -> memref<128x2048xf32, #tpu.memory_space<hbm>>
      %dma_wait3A_187 = arith.constant 0 : i32
      %dma_wait3A_188 = arith.constant 0 : i32
      %dma_wait3A_189 = tpu.memref_slice %arg3[%dma_wait3A_184, %dma_wait3A_187, %dma_wait3A_188] : memref<3x128x2048xf32, #tpu.memory_space<vmem_shared>> -> memref<1x128x2048xf32, #tpu.memory_space<vmem_shared>>
      %dma_wait3A_190 = tpu.memref_squeeze %dma_wait3A_189 : memref<1x128x2048xf32, #tpu.memory_space<vmem_shared>> -> memref<128x2048xf32, #tpu.memory_space<vmem_shared>>
      tpu.wait_dma2 semaphore(%run_scoped3A_0 : memref<!tpu.dma_semaphore, #tpu.memory_space<semaphore_mem>>) src(%dma_wait3A_190 : memref<128x2048xf32, #tpu.memory_space<vmem_shared>>) dst(%dma_wait3A_186 : memref<128x2048xf32, #tpu.memory_space<hbm>>)
      tpu.yield
    }) : () -> ()
    return
  }
  func.func @_tec_body(%arg0: i32, %arg1: i32, %arg2: memref<4096x2048xf32, #tpu.memory_space<hbm>>, %arg3: memref<4096x2048xf32, #tpu.memory_space<hbm>>, %arg4: memref<3x128x2048xf32, #tpu.memory_space<vmem_shared>>) attributes {dimension_semantics = [#tpu.dimension_semantics<core_parallel>, #tpu.dimension_semantics<subcore_parallel>], iteration_bounds = array<i64: 2, 16>, scalar_prefetch = 0 : i64, scratch_operands = 1 : i64, tpu.core_type = #tpu.core_type<sc_vector_subcore>, window_params = [{transform_indices = #map1}, {transform_indices = #map1}]} {
    %mul3A = arith.constant 2 : i32
    %mul3A_0 = arith.muli %arg1, %mul3A : i32
    %add3A = arith.addi %mul3A_0, %arg0 : i32
    "tpu.region"() ({
      %run_scoped3A = memref.alloca() : memref<4x8x2048xf32, #tpu.memory_space<vmem>>
      %run_scoped3A_1 = tpu.sem_alloc : memref<!tpu.dma_semaphore, #tpu.memory_space<semaphore_mem>>
      %run_scoped3A_2 = tpu.sem_alloc : memref<!tpu.dma_semaphore, #tpu.memory_space<semaphore_mem>>
      %mul3A_3 = arith.constant 80 : i32
      %mul3A_4 = arith.muli %add3A, %mul3A_3 : i32
      %add3A_5 = arith.constant 1536 : i32
      %add3A_6 = arith.addi %add3A_5, %mul3A_4 : i32
      %add3A_7 = arith.constant 0 : i32
      %add3A_8 = arith.addi %add3A_6, %add3A_7 : i32
      %dma_start3A = arith.constant 0 : i32
      %dma_start3A_9 = arith.constant 0 : i32
      %dma_start3A_10 = arith.constant 0 : i32
      %dma_start3A_11 = tpu.memref_slice %run_scoped3A[%dma_start3A, %dma_start3A_9, %dma_start3A_10] : memref<4x8x2048xf32, #tpu.memory_space<vmem>> -> memref<1x8x2048xf32, #tpu.memory_space<vmem>>
      %dma_start3A_12 = tpu.memref_squeeze %dma_start3A_11 : memref<1x8x2048xf32, #tpu.memory_space<vmem>> -> memref<8x2048xf32, #tpu.memory_space<vmem>>
      %dma_start3A_13 = arith.constant 0 : i32
      %dma_start3A_14 = tpu.memref_slice %arg2[%add3A_8, %dma_start3A_13] : memref<4096x2048xf32, #tpu.memory_space<hbm>> -> memref<8x2048xf32, #tpu.memory_space<hbm>>
      %dma_start3A_15 = arith.constant 0 : i32
      %dma_start3A_16 = arith.constant 0 : i32
      %dma_start3A_17 = tpu.memref_slice %run_scoped3A[%dma_start3A, %dma_start3A_15, %dma_start3A_16] : memref<4x8x2048xf32, #tpu.memory_space<vmem>> -> memref<1x8x2048xf32, #tpu.memory_space<vmem>>
      %dma_start3A_18 = tpu.memref_squeeze %dma_start3A_17 : memref<1x8x2048xf32, #tpu.memory_space<vmem>> -> memref<8x2048xf32, #tpu.memory_space<vmem>>
      %dma_start3A_19 = arith.constant 0 : i32
      %dma_start3A_20 = tpu.memref_slice %arg2[%add3A_8, %dma_start3A_19] : memref<4096x2048xf32, #tpu.memory_space<hbm>> -> memref<8x2048xf32, #tpu.memory_space<hbm>>
      tpu.enqueue_dma source(%dma_start3A_20 : memref<8x2048xf32, #tpu.memory_space<hbm>>) target(%dma_start3A_18 : memref<8x2048xf32, #tpu.memory_space<vmem>>) target_semaphore(%run_scoped3A_1 : memref<!tpu.dma_semaphore, #tpu.memory_space<semaphore_mem>>)
      %add3A_21 = arith.constant 8 : i32
      %add3A_22 = arith.addi %add3A_6, %add3A_21 : i32
      %dma_start3A_23 = arith.constant 1 : i32
      %dma_start3A_24 = arith.constant 0 : i32
      %dma_start3A_25 = arith.constant 0 : i32
      %dma_start3A_26 = tpu.memref_slice %run_scoped3A[%dma_start3A_23, %dma_start3A_24, %dma_start3A_25] : memref<4x8x2048xf32, #tpu.memory_space<vmem>> -> memref<1x8x2048xf32, #tpu.memory_space<vmem>>
      %dma_start3A_27 = tpu.memref_squeeze %dma_start3A_26 : memref<1x8x2048xf32, #tpu.memory_space<vmem>> -> memref<8x2048xf32, #tpu.memory_space<vmem>>
      %dma_start3A_28 = arith.constant 0 : i32
      %dma_start3A_29 = tpu.memref_slice %arg2[%add3A_22, %dma_start3A_28] : memref<4096x2048xf32, #tpu.memory_space<hbm>> -> memref<8x2048xf32, #tpu.memory_space<hbm>>
      %dma_start3A_30 = arith.constant 0 : i32
      %dma_start3A_31 = arith.constant 0 : i32
      %dma_start3A_32 = tpu.memref_slice %run_scoped3A[%dma_start3A_23, %dma_start3A_30, %dma_start3A_31] : memref<4x8x2048xf32, #tpu.memory_space<vmem>> -> memref<1x8x2048xf32, #tpu.memory_space<vmem>>
      %dma_start3A_33 = tpu.memref_squeeze %dma_start3A_32 : memref<1x8x2048xf32, #tpu.memory_space<vmem>> -> memref<8x2048xf32, #tpu.memory_space<vmem>>
      %dma_start3A_34 = arith.constant 0 : i32
      %dma_start3A_35 = tpu.memref_slice %arg2[%add3A_22, %dma_start3A_34] : memref<4096x2048xf32, #tpu.memory_space<hbm>> -> memref<8x2048xf32, #tpu.memory_space<hbm>>
      tpu.enqueue_dma source(%dma_start3A_35 : memref<8x2048xf32, #tpu.memory_space<hbm>>) target(%dma_start3A_33 : memref<8x2048xf32, #tpu.memory_space<vmem>>) target_semaphore(%run_scoped3A_1 : memref<!tpu.dma_semaphore, #tpu.memory_space<semaphore_mem>>)
      %dma_wait3A = arith.constant 0 : i32
      %dma_wait3A_36 = arith.constant 0 : i32
      %dma_wait3A_37 = arith.constant 0 : i32
      %dma_wait3A_38 = tpu.memref_slice %run_scoped3A[%dma_wait3A, %dma_wait3A_36, %dma_wait3A_37] : memref<4x8x2048xf32, #tpu.memory_space<vmem>> -> memref<1x8x2048xf32, #tpu.memory_space<vmem>>
      %dma_wait3A_39 = tpu.memref_squeeze %dma_wait3A_38 : memref<1x8x2048xf32, #tpu.memory_space<vmem>> -> memref<8x2048xf32, #tpu.memory_space<vmem>>
      %dma_wait3A_40 = arith.constant 0 : i32
      %dma_wait3A_41 = tpu.memref_slice %arg2[%add3A_8, %dma_wait3A_40] : memref<4096x2048xf32, #tpu.memory_space<hbm>> -> memref<8x2048xf32, #tpu.memory_space<hbm>>
      %dma_wait3A_42 = arith.constant 0 : i32
      %dma_wait3A_43 = arith.constant 0 : i32
      %dma_wait3A_44 = tpu.memref_slice %run_scoped3A[%dma_wait3A, %dma_wait3A_42, %dma_wait3A_43] : memref<4x8x2048xf32, #tpu.memory_space<vmem>> -> memref<1x8x2048xf32, #tpu.memory_space<vmem>>
      %dma_wait3A_45 = tpu.memref_squeeze %dma_wait3A_44 : memref<1x8x2048xf32, #tpu.memory_space<vmem>> -> memref<8x2048xf32, #tpu.memory_space<vmem>>
      %dma_wait3A_46 = arith.constant 0 : i32
      %dma_wait3A_47 = tpu.memref_slice %arg2[%add3A_8, %dma_wait3A_46] : memref<4096x2048xf32, #tpu.memory_space<hbm>> -> memref<8x2048xf32, #tpu.memory_space<hbm>>
      tpu.wait_dma2 semaphore(%run_scoped3A_1 : memref<!tpu.dma_semaphore, #tpu.memory_space<semaphore_mem>>) src(%dma_wait3A_47 : memref<8x2048xf32, #tpu.memory_space<hbm>>) dst(%dma_wait3A_45 : memref<8x2048xf32, #tpu.memory_space<vmem>>)
      %add3A_48 = arith.constant 0 : i32
      %add3A_49 = arith.addi %add3A_6, %add3A_48 : i32
      %dma_start3A_50 = arith.constant 0 : i32
      %dma_start3A_51 = arith.constant 0 : i32
      %dma_start3A_52 = arith.constant 0 : i32
      %dma_start3A_53 = tpu.memref_slice %run_scoped3A[%dma_start3A_50, %dma_start3A_51, %dma_start3A_52] : memref<4x8x2048xf32, #tpu.memory_space<vmem>> -> memref<1x8x2048xf32, #tpu.memory_space<vmem>>
      %dma_start3A_54 = tpu.memref_squeeze %dma_start3A_53 : memref<1x8x2048xf32, #tpu.memory_space<vmem>> -> memref<8x2048xf32, #tpu.memory_space<vmem>>
      %dma_start3A_55 = arith.constant 0 : i32
      %dma_start3A_56 = tpu.memref_slice %arg3[%add3A_49, %dma_start3A_55] : memref<4096x2048xf32, #tpu.memory_space<hbm>> -> memref<8x2048xf32, #tpu.memory_space<hbm>>
      %dma_start3A_57 = arith.constant 0 : i32
      %dma_start3A_58 = tpu.memref_slice %arg3[%add3A_49, %dma_start3A_57] : memref<4096x2048xf32, #tpu.memory_space<hbm>> -> memref<8x2048xf32, #tpu.memory_space<hbm>>
      %dma_start3A_59 = arith.constant 0 : i32
      %dma_start3A_60 = arith.constant 0 : i32
      %dma_start3A_61 = tpu.memref_slice %run_scoped3A[%dma_start3A_50, %dma_start3A_59, %dma_start3A_60] : memref<4x8x2048xf32, #tpu.memory_space<vmem>> -> memref<1x8x2048xf32, #tpu.memory_space<vmem>>
      %dma_start3A_62 = tpu.memref_squeeze %dma_start3A_61 : memref<1x8x2048xf32, #tpu.memory_space<vmem>> -> memref<8x2048xf32, #tpu.memory_space<vmem>>
      tpu.enqueue_dma source(%dma_start3A_62 : memref<8x2048xf32, #tpu.memory_space<vmem>>) target(%dma_start3A_58 : memref<8x2048xf32, #tpu.memory_space<hbm>>) target_semaphore(%run_scoped3A_2 : memref<!tpu.dma_semaphore, #tpu.memory_space<semaphore_mem>>)
      %add3A_63 = arith.constant 16 : i32
      %add3A_64 = arith.addi %add3A_6, %add3A_63 : i32
      %dma_start3A_65 = arith.constant 2 : i32
      %dma_start3A_66 = arith.constant 0 : i32
      %dma_start3A_67 = arith.constant 0 : i32
      %dma_start3A_68 = tpu.memref_slice %run_scoped3A[%dma_start3A_65, %dma_start3A_66, %dma_start3A_67] : memref<4x8x2048xf32, #tpu.memory_space<vmem>> -> memref<1x8x2048xf32, #tpu.memory_space<vmem>>
      %dma_start3A_69 = tpu.memref_squeeze %dma_start3A_68 : memref<1x8x2048xf32, #tpu.memory_space<vmem>> -> memref<8x2048xf32, #tpu.memory_space<vmem>>
      %dma_start3A_70 = arith.constant 0 : i32
      %dma_start3A_71 = tpu.memref_slice %arg2[%add3A_64, %dma_start3A_70] : memref<4096x2048xf32, #tpu.memory_space<hbm>> -> memref<8x2048xf32, #tpu.memory_space<hbm>>
      %dma_start3A_72 = arith.constant 0 : i32
      %dma_start3A_73 = arith.constant 0 : i32
      %dma_start3A_74 = tpu.memref_slice %run_scoped3A[%dma_start3A_65, %dma_start3A_72, %dma_start3A_73] : memref<4x8x2048xf32, #tpu.memory_space<vmem>> -> memref<1x8x2048xf32, #tpu.memory_space<vmem>>
      %dma_start3A_75 = tpu.memref_squeeze %dma_start3A_74 : memref<1x8x2048xf32, #tpu.memory_space<vmem>> -> memref<8x2048xf32, #tpu.memory_space<vmem>>
      %dma_start3A_76 = arith.constant 0 : i32
      %dma_start3A_77 = tpu.memref_slice %arg2[%add3A_64, %dma_start3A_76] : memref<4096x2048xf32, #tpu.memory_space<hbm>> -> memref<8x2048xf32, #tpu.memory_space<hbm>>
      tpu.enqueue_dma source(%dma_start3A_77 : memref<8x2048xf32, #tpu.memory_space<hbm>>) target(%dma_start3A_75 : memref<8x2048xf32, #tpu.memory_space<vmem>>) target_semaphore(%run_scoped3A_1 : memref<!tpu.dma_semaphore, #tpu.memory_space<semaphore_mem>>)
      %dma_wait3A_78 = arith.constant 1 : i32
      %dma_wait3A_79 = arith.constant 0 : i32
      %dma_wait3A_80 = arith.constant 0 : i32
      %dma_wait3A_81 = tpu.memref_slice %run_scoped3A[%dma_wait3A_78, %dma_wait3A_79, %dma_wait3A_80] : memref<4x8x2048xf32, #tpu.memory_space<vmem>> -> memref<1x8x2048xf32, #tpu.memory_space<vmem>>
      %dma_wait3A_82 = tpu.memref_squeeze %dma_wait3A_81 : memref<1x8x2048xf32, #tpu.memory_space<vmem>> -> memref<8x2048xf32, #tpu.memory_space<vmem>>
      %dma_wait3A_83 = arith.constant 0 : i32
      %dma_wait3A_84 = tpu.memref_slice %arg2[%add3A_22, %dma_wait3A_83] : memref<4096x2048xf32, #tpu.memory_space<hbm>> -> memref<8x2048xf32, #tpu.memory_space<hbm>>
      %dma_wait3A_85 = arith.constant 0 : i32
      %dma_wait3A_86 = arith.constant 0 : i32
      %dma_wait3A_87 = tpu.memref_slice %run_scoped3A[%dma_wait3A_78, %dma_wait3A_85, %dma_wait3A_86] : memref<4x8x2048xf32, #tpu.memory_space<vmem>> -> memref<1x8x2048xf32, #tpu.memory_space<vmem>>
      %dma_wait3A_88 = tpu.memref_squeeze %dma_wait3A_87 : memref<1x8x2048xf32, #tpu.memory_space<vmem>> -> memref<8x2048xf32, #tpu.memory_space<vmem>>
      %dma_wait3A_89 = arith.constant 0 : i32
      %dma_wait3A_90 = tpu.memref_slice %arg2[%add3A_22, %dma_wait3A_89] : memref<4096x2048xf32, #tpu.memory_space<hbm>> -> memref<8x2048xf32, #tpu.memory_space<hbm>>
      tpu.wait_dma2 semaphore(%run_scoped3A_1 : memref<!tpu.dma_semaphore, #tpu.memory_space<semaphore_mem>>) src(%dma_wait3A_90 : memref<8x2048xf32, #tpu.memory_space<hbm>>) dst(%dma_wait3A_88 : memref<8x2048xf32, #tpu.memory_space<vmem>>)
      %add3A_91 = arith.constant 8 : i32
      %add3A_92 = arith.addi %add3A_6, %add3A_91 : i32
      %dma_start3A_93 = arith.constant 1 : i32
      %dma_start3A_94 = arith.constant 0 : i32
      %dma_start3A_95 = arith.constant 0 : i32
      %dma_start3A_96 = tpu.memref_slice %run_scoped3A[%dma_start3A_93, %dma_start3A_94, %dma_start3A_95] : memref<4x8x2048xf32, #tpu.memory_space<vmem>> -> memref<1x8x2048xf32, #tpu.memory_space<vmem>>
      %dma_start3A_97 = tpu.memref_squeeze %dma_start3A_96 : memref<1x8x2048xf32, #tpu.memory_space<vmem>> -> memref<8x2048xf32, #tpu.memory_space<vmem>>
      %dma_start3A_98 = arith.constant 0 : i32
      %dma_start3A_99 = tpu.memref_slice %arg3[%add3A_92, %dma_start3A_98] : memref<4096x2048xf32, #tpu.memory_space<hbm>> -> memref<8x2048xf32, #tpu.memory_space<hbm>>
      %dma_start3A_100 = arith.constant 0 : i32
      %dma_start3A_101 = tpu.memref_slice %arg3[%add3A_92, %dma_start3A_100] : memref<4096x2048xf32, #tpu.memory_space<hbm>> -> memref<8x2048xf32, #tpu.memory_space<hbm>>
      %dma_start3A_102 = arith.constant 0 : i32
      %dma_start3A_103 = arith.constant 0 : i32
      %dma_start3A_104 = tpu.memref_slice %run_scoped3A[%dma_start3A_93, %dma_start3A_102, %dma_start3A_103] : memref<4x8x2048xf32, #tpu.memory_space<vmem>> -> memref<1x8x2048xf32, #tpu.memory_space<vmem>>
      %dma_start3A_105 = tpu.memref_squeeze %dma_start3A_104 : memref<1x8x2048xf32, #tpu.memory_space<vmem>> -> memref<8x2048xf32, #tpu.memory_space<vmem>>
      tpu.enqueue_dma source(%dma_start3A_105 : memref<8x2048xf32, #tpu.memory_space<vmem>>) target(%dma_start3A_101 : memref<8x2048xf32, #tpu.memory_space<hbm>>) target_semaphore(%run_scoped3A_2 : memref<!tpu.dma_semaphore, #tpu.memory_space<semaphore_mem>>)
      %add3A_106 = arith.constant 24 : i32
      %add3A_107 = arith.addi %add3A_6, %add3A_106 : i32
      %dma_start3A_108 = arith.constant 3 : i32
      %dma_start3A_109 = arith.constant 0 : i32
      %dma_start3A_110 = arith.constant 0 : i32
      %dma_start3A_111 = tpu.memref_slice %run_scoped3A[%dma_start3A_108, %dma_start3A_109, %dma_start3A_110] : memref<4x8x2048xf32, #tpu.memory_space<vmem>> -> memref<1x8x2048xf32, #tpu.memory_space<vmem>>
      %dma_start3A_112 = tpu.memref_squeeze %dma_start3A_111 : memref<1x8x2048xf32, #tpu.memory_space<vmem>> -> memref<8x2048xf32, #tpu.memory_space<vmem>>
      %dma_start3A_113 = arith.constant 0 : i32
      %dma_start3A_114 = tpu.memref_slice %arg2[%add3A_107, %dma_start3A_113] : memref<4096x2048xf32, #tpu.memory_space<hbm>> -> memref<8x2048xf32, #tpu.memory_space<hbm>>
      %dma_start3A_115 = arith.constant 0 : i32
      %dma_start3A_116 = arith.constant 0 : i32
      %dma_start3A_117 = tpu.memref_slice %run_scoped3A[%dma_start3A_108, %dma_start3A_115, %dma_start3A_116] : memref<4x8x2048xf32, #tpu.memory_space<vmem>> -> memref<1x8x2048xf32, #tpu.memory_space<vmem>>
      %dma_start3A_118 = tpu.memref_squeeze %dma_start3A_117 : memref<1x8x2048xf32, #tpu.memory_space<vmem>> -> memref<8x2048xf32, #tpu.memory_space<vmem>>
      %dma_start3A_119 = arith.constant 0 : i32
      %dma_start3A_120 = tpu.memref_slice %arg2[%add3A_107, %dma_start3A_119] : memref<4096x2048xf32, #tpu.memory_space<hbm>> -> memref<8x2048xf32, #tpu.memory_space<hbm>>
      tpu.enqueue_dma source(%dma_start3A_120 : memref<8x2048xf32, #tpu.memory_space<hbm>>) target(%dma_start3A_118 : memref<8x2048xf32, #tpu.memory_space<vmem>>) target_semaphore(%run_scoped3A_1 : memref<!tpu.dma_semaphore, #tpu.memory_space<semaphore_mem>>)
      %dma_wait3A_121 = arith.constant 2 : i32
      %dma_wait3A_122 = arith.constant 0 : i32
      %dma_wait3A_123 = arith.constant 0 : i32
      %dma_wait3A_124 = tpu.memref_slice %run_scoped3A[%dma_wait3A_121, %dma_wait3A_122, %dma_wait3A_123] : memref<4x8x2048xf32, #tpu.memory_space<vmem>> -> memref<1x8x2048xf32, #tpu.memory_space<vmem>>
      %dma_wait3A_125 = tpu.memref_squeeze %dma_wait3A_124 : memref<1x8x2048xf32, #tpu.memory_space<vmem>> -> memref<8x2048xf32, #tpu.memory_space<vmem>>
      %dma_wait3A_126 = arith.constant 0 : i32
      %dma_wait3A_127 = tpu.memref_slice %arg2[%add3A_64, %dma_wait3A_126] : memref<4096x2048xf32, #tpu.memory_space<hbm>> -> memref<8x2048xf32, #tpu.memory_space<hbm>>
      %dma_wait3A_128 = arith.constant 0 : i32
      %dma_wait3A_129 = arith.constant 0 : i32
      %dma_wait3A_130 = tpu.memref_slice %run_scoped3A[%dma_wait3A_121, %dma_wait3A_128, %dma_wait3A_129] : memref<4x8x2048xf32, #tpu.memory_space<vmem>> -> memref<1x8x2048xf32, #tpu.memory_space<vmem>>
      %dma_wait3A_131 = tpu.memref_squeeze %dma_wait3A_130 : memref<1x8x2048xf32, #tpu.memory_space<vmem>> -> memref<8x2048xf32, #tpu.memory_space<vmem>>
      %dma_wait3A_132 = arith.constant 0 : i32
      %dma_wait3A_133 = tpu.memref_slice %arg2[%add3A_64, %dma_wait3A_132] : memref<4096x2048xf32, #tpu.memory_space<hbm>> -> memref<8x2048xf32, #tpu.memory_space<hbm>>
      tpu.wait_dma2 semaphore(%run_scoped3A_1 : memref<!tpu.dma_semaphore, #tpu.memory_space<semaphore_mem>>) src(%dma_wait3A_133 : memref<8x2048xf32, #tpu.memory_space<hbm>>) dst(%dma_wait3A_131 : memref<8x2048xf32, #tpu.memory_space<vmem>>)
      %add3A_134 = arith.constant 16 : i32
      %add3A_135 = arith.addi %add3A_6, %add3A_134 : i32
      %dma_start3A_136 = arith.constant 2 : i32
      %dma_start3A_137 = arith.constant 0 : i32
      %dma_start3A_138 = arith.constant 0 : i32
      %dma_start3A_139 = tpu.memref_slice %run_scoped3A[%dma_start3A_136, %dma_start3A_137, %dma_start3A_138] : memref<4x8x2048xf32, #tpu.memory_space<vmem>> -> memref<1x8x2048xf32, #tpu.memory_space<vmem>>
      %dma_start3A_140 = tpu.memref_squeeze %dma_start3A_139 : memref<1x8x2048xf32, #tpu.memory_space<vmem>> -> memref<8x2048xf32, #tpu.memory_space<vmem>>
      %dma_start3A_141 = arith.constant 0 : i32
      %dma_start3A_142 = tpu.memref_slice %arg3[%add3A_135, %dma_start3A_141] : memref<4096x2048xf32, #tpu.memory_space<hbm>> -> memref<8x2048xf32, #tpu.memory_space<hbm>>
      %dma_start3A_143 = arith.constant 0 : i32
      %dma_start3A_144 = tpu.memref_slice %arg3[%add3A_135, %dma_start3A_143] : memref<4096x2048xf32, #tpu.memory_space<hbm>> -> memref<8x2048xf32, #tpu.memory_space<hbm>>
      %dma_start3A_145 = arith.constant 0 : i32
      %dma_start3A_146 = arith.constant 0 : i32
      %dma_start3A_147 = tpu.memref_slice %run_scoped3A[%dma_start3A_136, %dma_start3A_145, %dma_start3A_146] : memref<4x8x2048xf32, #tpu.memory_space<vmem>> -> memref<1x8x2048xf32, #tpu.memory_space<vmem>>
      %dma_start3A_148 = tpu.memref_squeeze %dma_start3A_147 : memref<1x8x2048xf32, #tpu.memory_space<vmem>> -> memref<8x2048xf32, #tpu.memory_space<vmem>>
      tpu.enqueue_dma source(%dma_start3A_148 : memref<8x2048xf32, #tpu.memory_space<vmem>>) target(%dma_start3A_144 : memref<8x2048xf32, #tpu.memory_space<hbm>>) target_semaphore(%run_scoped3A_2 : memref<!tpu.dma_semaphore, #tpu.memory_space<semaphore_mem>>)
      %dma_wait3A_149 = arith.constant 0 : i32
      %dma_wait3A_150 = arith.constant 0 : i32
      %dma_wait3A_151 = arith.constant 0 : i32
      %dma_wait3A_152 = tpu.memref_slice %run_scoped3A[%dma_wait3A_149, %dma_wait3A_150, %dma_wait3A_151] : memref<4x8x2048xf32, #tpu.memory_space<vmem>> -> memref<1x8x2048xf32, #tpu.memory_space<vmem>>
      %dma_wait3A_153 = tpu.memref_squeeze %dma_wait3A_152 : memref<1x8x2048xf32, #tpu.memory_space<vmem>> -> memref<8x2048xf32, #tpu.memory_space<vmem>>
      %dma_wait3A_154 = arith.constant 0 : i32
      %dma_wait3A_155 = tpu.memref_slice %arg3[%add3A_49, %dma_wait3A_154] : memref<4096x2048xf32, #tpu.memory_space<hbm>> -> memref<8x2048xf32, #tpu.memory_space<hbm>>
      %dma_wait3A_156 = arith.constant 0 : i32
      %dma_wait3A_157 = tpu.memref_slice %arg3[%add3A_49, %dma_wait3A_156] : memref<4096x2048xf32, #tpu.memory_space<hbm>> -> memref<8x2048xf32, #tpu.memory_space<hbm>>
      %dma_wait3A_158 = arith.constant 0 : i32
      %dma_wait3A_159 = arith.constant 0 : i32
      %dma_wait3A_160 = tpu.memref_slice %run_scoped3A[%dma_wait3A_149, %dma_wait3A_158, %dma_wait3A_159] : memref<4x8x2048xf32, #tpu.memory_space<vmem>> -> memref<1x8x2048xf32, #tpu.memory_space<vmem>>
      %dma_wait3A_161 = tpu.memref_squeeze %dma_wait3A_160 : memref<1x8x2048xf32, #tpu.memory_space<vmem>> -> memref<8x2048xf32, #tpu.memory_space<vmem>>
      tpu.wait_dma2 semaphore(%run_scoped3A_2 : memref<!tpu.dma_semaphore, #tpu.memory_space<semaphore_mem>>) src(%dma_wait3A_161 : memref<8x2048xf32, #tpu.memory_space<vmem>>) dst(%dma_wait3A_157 : memref<8x2048xf32, #tpu.memory_space<hbm>>)
      %add3A_162 = arith.constant 32 : i32
      %add3A_163 = arith.addi %add3A_6, %add3A_162 : i32
      %dma_start3A_164 = arith.constant 0 : i32
      %dma_start3A_165 = arith.constant 0 : i32
      %dma_start3A_166 = arith.constant 0 : i32
      %dma_start3A_167 = tpu.memref_slice %run_scoped3A[%dma_start3A_164, %dma_start3A_165, %dma_start3A_166] : memref<4x8x2048xf32, #tpu.memory_space<vmem>> -> memref<1x8x2048xf32, #tpu.memory_space<vmem>>
      %dma_start3A_168 = tpu.memref_squeeze %dma_start3A_167 : memref<1x8x2048xf32, #tpu.memory_space<vmem>> -> memref<8x2048xf32, #tpu.memory_space<vmem>>
      %dma_start3A_169 = arith.constant 0 : i32
      %dma_start3A_170 = tpu.memref_slice %arg2[%add3A_163, %dma_start3A_169] : memref<4096x2048xf32, #tpu.memory_space<hbm>> -> memref<8x2048xf32, #tpu.memory_space<hbm>>
      %dma_start3A_171 = arith.constant 0 : i32
      %dma_start3A_172 = arith.constant 0 : i32
      %dma_start3A_173 = tpu.memref_slice %run_scoped3A[%dma_start3A_164, %dma_start3A_171, %dma_start3A_172] : memref<4x8x2048xf32, #tpu.memory_space<vmem>> -> memref<1x8x2048xf32, #tpu.memory_space<vmem>>
      %dma_start3A_174 = tpu.memref_squeeze %dma_start3A_173 : memref<1x8x2048xf32, #tpu.memory_space<vmem>> -> memref<8x2048xf32, #tpu.memory_space<vmem>>
      %dma_start3A_175 = arith.constant 0 : i32
      %dma_start3A_176 = tpu.memref_slice %arg2[%add3A_163, %dma_start3A_175] : memref<4096x2048xf32, #tpu.memory_space<hbm>> -> memref<8x2048xf32, #tpu.memory_space<hbm>>
      tpu.enqueue_dma source(%dma_start3A_176 : memref<8x2048xf32, #tpu.memory_space<hbm>>) target(%dma_start3A_174 : memref<8x2048xf32, #tpu.memory_space<vmem>>) target_semaphore(%run_scoped3A_1 : memref<!tpu.dma_semaphore, #tpu.memory_space<semaphore_mem>>)
      %dma_wait3A_177 = arith.constant 3 : i32
      %dma_wait3A_178 = arith.constant 0 : i32
      %dma_wait3A_179 = arith.constant 0 : i32
      %dma_wait3A_180 = tpu.memref_slice %run_scoped3A[%dma_wait3A_177, %dma_wait3A_178, %dma_wait3A_179] : memref<4x8x2048xf32, #tpu.memory_space<vmem>> -> memref<1x8x2048xf32, #tpu.memory_space<vmem>>
      %dma_wait3A_181 = tpu.memref_squeeze %dma_wait3A_180 : memref<1x8x2048xf32, #tpu.memory_space<vmem>> -> memref<8x2048xf32, #tpu.memory_space<vmem>>
      %dma_wait3A_182 = arith.constant 0 : i32
      %dma_wait3A_183 = tpu.memref_slice %arg2[%add3A_107, %dma_wait3A_182] : memref<4096x2048xf32, #tpu.memory_space<hbm>> -> memref<8x2048xf32, #tpu.memory_space<hbm>>
      %dma_wait3A_184 = arith.constant 0 : i32
      %dma_wait3A_185 = arith.constant 0 : i32
      %dma_wait3A_186 = tpu.memref_slice %run_scoped3A[%dma_wait3A_177, %dma_wait3A_184, %dma_wait3A_185] : memref<4x8x2048xf32, #tpu.memory_space<vmem>> -> memref<1x8x2048xf32, #tpu.memory_space<vmem>>
      %dma_wait3A_187 = tpu.memref_squeeze %dma_wait3A_186 : memref<1x8x2048xf32, #tpu.memory_space<vmem>> -> memref<8x2048xf32, #tpu.memory_space<vmem>>
      %dma_wait3A_188 = arith.constant 0 : i32
      %dma_wait3A_189 = tpu.memref_slice %arg2[%add3A_107, %dma_wait3A_188] : memref<4096x2048xf32, #tpu.memory_space<hbm>> -> memref<8x2048xf32, #tpu.memory_space<hbm>>
      tpu.wait_dma2 semaphore(%run_scoped3A_1 : memref<!tpu.dma_semaphore, #tpu.memory_space<semaphore_mem>>) src(%dma_wait3A_189 : memref<8x2048xf32, #tpu.memory_space<hbm>>) dst(%dma_wait3A_187 : memref<8x2048xf32, #tpu.memory_space<vmem>>)
      %add3A_190 = arith.constant 24 : i32
      %add3A_191 = arith.addi %add3A_6, %add3A_190 : i32
      %dma_start3A_192 = arith.constant 3 : i32
      %dma_start3A_193 = arith.constant 0 : i32
      %dma_start3A_194 = arith.constant 0 : i32
      %dma_start3A_195 = tpu.memref_slice %run_scoped3A[%dma_start3A_192, %dma_start3A_193, %dma_start3A_194] : memref<4x8x2048xf32, #tpu.memory_space<vmem>> -> memref<1x8x2048xf32, #tpu.memory_space<vmem>>
      %dma_start3A_196 = tpu.memref_squeeze %dma_start3A_195 : memref<1x8x2048xf32, #tpu.memory_space<vmem>> -> memref<8x2048xf32, #tpu.memory_space<vmem>>
      %dma_start3A_197 = arith.constant 0 : i32
      %dma_start3A_198 = tpu.memref_slice %arg3[%add3A_191, %dma_start3A_197] : memref<4096x2048xf32, #tpu.memory_space<hbm>> -> memref<8x2048xf32, #tpu.memory_space<hbm>>
      %dma_start3A_199 = arith.constant 0 : i32
      %dma_start3A_200 = tpu.memref_slice %arg3[%add3A_191, %dma_start3A_199] : memref<4096x2048xf32, #tpu.memory_space<hbm>> -> memref<8x2048xf32, #tpu.memory_space<hbm>>
      %dma_start3A_201 = arith.constant 0 : i32
      %dma_start3A_202 = arith.constant 0 : i32
      %dma_start3A_203 = tpu.memref_slice %run_scoped3A[%dma_start3A_192, %dma_start3A_201, %dma_start3A_202] : memref<4x8x2048xf32, #tpu.memory_space<vmem>> -> memref<1x8x2048xf32, #tpu.memory_space<vmem>>
      %dma_start3A_204 = tpu.memref_squeeze %dma_start3A_203 : memref<1x8x2048xf32, #tpu.memory_space<vmem>> -> memref<8x2048xf32, #tpu.memory_space<vmem>>
      tpu.enqueue_dma source(%dma_start3A_204 : memref<8x2048xf32, #tpu.memory_space<vmem>>) target(%dma_start3A_200 : memref<8x2048xf32, #tpu.memory_space<hbm>>) target_semaphore(%run_scoped3A_2 : memref<!tpu.dma_semaphore, #tpu.memory_space<semaphore_mem>>)
      %dma_wait3A_205 = arith.constant 1 : i32
      %dma_wait3A_206 = arith.constant 0 : i32
      %dma_wait3A_207 = arith.constant 0 : i32
      %dma_wait3A_208 = tpu.memref_slice %run_scoped3A[%dma_wait3A_205, %dma_wait3A_206, %dma_wait3A_207] : memref<4x8x2048xf32, #tpu.memory_space<vmem>> -> memref<1x8x2048xf32, #tpu.memory_space<vmem>>
      %dma_wait3A_209 = tpu.memref_squeeze %dma_wait3A_208 : memref<1x8x2048xf32, #tpu.memory_space<vmem>> -> memref<8x2048xf32, #tpu.memory_space<vmem>>
      %dma_wait3A_210 = arith.constant 0 : i32
      %dma_wait3A_211 = tpu.memref_slice %arg3[%add3A_92, %dma_wait3A_210] : memref<4096x2048xf32, #tpu.memory_space<hbm>> -> memref<8x2048xf32, #tpu.memory_space<hbm>>
      %dma_wait3A_212 = arith.constant 0 : i32
      %dma_wait3A_213 = tpu.memref_slice %arg3[%add3A_92, %dma_wait3A_212] : memref<4096x2048xf32, #tpu.memory_space<hbm>> -> memref<8x2048xf32, #tpu.memory_space<hbm>>
      %dma_wait3A_214 = arith.constant 0 : i32
      %dma_wait3A_215 = arith.constant 0 : i32
      %dma_wait3A_216 = tpu.memref_slice %run_scoped3A[%dma_wait3A_205, %dma_wait3A_214, %dma_wait3A_215] : memref<4x8x2048xf32, #tpu.memory_space<vmem>> -> memref<1x8x2048xf32, #tpu.memory_space<vmem>>
      %dma_wait3A_217 = tpu.memref_squeeze %dma_wait3A_216 : memref<1x8x2048xf32, #tpu.memory_space<vmem>> -> memref<8x2048xf32, #tpu.memory_space<vmem>>
      tpu.wait_dma2 semaphore(%run_scoped3A_2 : memref<!tpu.dma_semaphore, #tpu.memory_space<semaphore_mem>>) src(%dma_wait3A_217 : memref<8x2048xf32, #tpu.memory_space<vmem>>) dst(%dma_wait3A_213 : memref<8x2048xf32, #tpu.memory_space<hbm>>)
      %add3A_218 = arith.constant 40 : i32
      %add3A_219 = arith.addi %add3A_6, %add3A_218 : i32
      %dma_start3A_220 = arith.constant 1 : i32
      %dma_start3A_221 = arith.constant 0 : i32
      %dma_start3A_222 = arith.constant 0 : i32
      %dma_start3A_223 = tpu.memref_slice %run_scoped3A[%dma_start3A_220, %dma_start3A_221, %dma_start3A_222] : memref<4x8x2048xf32, #tpu.memory_space<vmem>> -> memref<1x8x2048xf32, #tpu.memory_space<vmem>>
      %dma_start3A_224 = tpu.memref_squeeze %dma_start3A_223 : memref<1x8x2048xf32, #tpu.memory_space<vmem>> -> memref<8x2048xf32, #tpu.memory_space<vmem>>
      %dma_start3A_225 = arith.constant 0 : i32
      %dma_start3A_226 = tpu.memref_slice %arg2[%add3A_219, %dma_start3A_225] : memref<4096x2048xf32, #tpu.memory_space<hbm>> -> memref<8x2048xf32, #tpu.memory_space<hbm>>
      %dma_start3A_227 = arith.constant 0 : i32
      %dma_start3A_228 = arith.constant 0 : i32
      %dma_start3A_229 = tpu.memref_slice %run_scoped3A[%dma_start3A_220, %dma_start3A_227, %dma_start3A_228] : memref<4x8x2048xf32, #tpu.memory_space<vmem>> -> memref<1x8x2048xf32, #tpu.memory_space<vmem>>
      %dma_start3A_230 = tpu.memref_squeeze %dma_start3A_229 : memref<1x8x2048xf32, #tpu.memory_space<vmem>> -> memref<8x2048xf32, #tpu.memory_space<vmem>>
      %dma_start3A_231 = arith.constant 0 : i32
      %dma_start3A_232 = tpu.memref_slice %arg2[%add3A_219, %dma_start3A_231] : memref<4096x2048xf32, #tpu.memory_space<hbm>> -> memref<8x2048xf32, #tpu.memory_space<hbm>>
      tpu.enqueue_dma source(%dma_start3A_232 : memref<8x2048xf32, #tpu.memory_space<hbm>>) target(%dma_start3A_230 : memref<8x2048xf32, #tpu.memory_space<vmem>>) target_semaphore(%run_scoped3A_1 : memref<!tpu.dma_semaphore, #tpu.memory_space<semaphore_mem>>)
      %dma_wait3A_233 = arith.constant 0 : i32
      %dma_wait3A_234 = arith.constant 0 : i32
      %dma_wait3A_235 = arith.constant 0 : i32
      %dma_wait3A_236 = tpu.memref_slice %run_scoped3A[%dma_wait3A_233, %dma_wait3A_234, %dma_wait3A_235] : memref<4x8x2048xf32, #tpu.memory_space<vmem>> -> memref<1x8x2048xf32, #tpu.memory_space<vmem>>
      %dma_wait3A_237 = tpu.memref_squeeze %dma_wait3A_236 : memref<1x8x2048xf32, #tpu.memory_space<vmem>> -> memref<8x2048xf32, #tpu.memory_space<vmem>>
      %dma_wait3A_238 = arith.constant 0 : i32
      %dma_wait3A_239 = tpu.memref_slice %arg2[%add3A_163, %dma_wait3A_238] : memref<4096x2048xf32, #tpu.memory_space<hbm>> -> memref<8x2048xf32, #tpu.memory_space<hbm>>
      %dma_wait3A_240 = arith.constant 0 : i32
      %dma_wait3A_241 = arith.constant 0 : i32
      %dma_wait3A_242 = tpu.memref_slice %run_scoped3A[%dma_wait3A_233, %dma_wait3A_240, %dma_wait3A_241] : memref<4x8x2048xf32, #tpu.memory_space<vmem>> -> memref<1x8x2048xf32, #tpu.memory_space<vmem>>
      %dma_wait3A_243 = tpu.memref_squeeze %dma_wait3A_242 : memref<1x8x2048xf32, #tpu.memory_space<vmem>> -> memref<8x2048xf32, #tpu.memory_space<vmem>>
      %dma_wait3A_244 = arith.constant 0 : i32
      %dma_wait3A_245 = tpu.memref_slice %arg2[%add3A_163, %dma_wait3A_244] : memref<4096x2048xf32, #tpu.memory_space<hbm>> -> memref<8x2048xf32, #tpu.memory_space<hbm>>
      tpu.wait_dma2 semaphore(%run_scoped3A_1 : memref<!tpu.dma_semaphore, #tpu.memory_space<semaphore_mem>>) src(%dma_wait3A_245 : memref<8x2048xf32, #tpu.memory_space<hbm>>) dst(%dma_wait3A_243 : memref<8x2048xf32, #tpu.memory_space<vmem>>)
      %add3A_246 = arith.constant 32 : i32
      %add3A_247 = arith.addi %add3A_6, %add3A_246 : i32
      %dma_start3A_248 = arith.constant 0 : i32
      %dma_start3A_249 = arith.constant 0 : i32
      %dma_start3A_250 = arith.constant 0 : i32
      %dma_start3A_251 = tpu.memref_slice %run_scoped3A[%dma_start3A_248, %dma_start3A_249, %dma_start3A_250] : memref<4x8x2048xf32, #tpu.memory_space<vmem>> -> memref<1x8x2048xf32, #tpu.memory_space<vmem>>
      %dma_start3A_252 = tpu.memref_squeeze %dma_start3A_251 : memref<1x8x2048xf32, #tpu.memory_space<vmem>> -> memref<8x2048xf32, #tpu.memory_space<vmem>>
      %dma_start3A_253 = arith.constant 0 : i32
      %dma_start3A_254 = tpu.memref_slice %arg3[%add3A_247, %dma_start3A_253] : memref<4096x2048xf32, #tpu.memory_space<hbm>> -> memref<8x2048xf32, #tpu.memory_space<hbm>>
      %dma_start3A_255 = arith.constant 0 : i32
      %dma_start3A_256 = tpu.memref_slice %arg3[%add3A_247, %dma_start3A_255] : memref<4096x2048xf32, #tpu.memory_space<hbm>> -> memref<8x2048xf32, #tpu.memory_space<hbm>>
      %dma_start3A_257 = arith.constant 0 : i32
      %dma_start3A_258 = arith.constant 0 : i32
      %dma_start3A_259 = tpu.memref_slice %run_scoped3A[%dma_start3A_248, %dma_start3A_257, %dma_start3A_258] : memref<4x8x2048xf32, #tpu.memory_space<vmem>> -> memref<1x8x2048xf32, #tpu.memory_space<vmem>>
      %dma_start3A_260 = tpu.memref_squeeze %dma_start3A_259 : memref<1x8x2048xf32, #tpu.memory_space<vmem>> -> memref<8x2048xf32, #tpu.memory_space<vmem>>
      tpu.enqueue_dma source(%dma_start3A_260 : memref<8x2048xf32, #tpu.memory_space<vmem>>) target(%dma_start3A_256 : memref<8x2048xf32, #tpu.memory_space<hbm>>) target_semaphore(%run_scoped3A_2 : memref<!tpu.dma_semaphore, #tpu.memory_space<semaphore_mem>>)
      %dma_wait3A_261 = arith.constant 2 : i32
      %dma_wait3A_262 = arith.constant 0 : i32
      %dma_wait3A_263 = arith.constant 0 : i32
      %dma_wait3A_264 = tpu.memref_slice %run_scoped3A[%dma_wait3A_261, %dma_wait3A_262, %dma_wait3A_263] : memref<4x8x2048xf32, #tpu.memory_space<vmem>> -> memref<1x8x2048xf32, #tpu.memory_space<vmem>>
      %dma_wait3A_265 = tpu.memref_squeeze %dma_wait3A_264 : memref<1x8x2048xf32, #tpu.memory_space<vmem>> -> memref<8x2048xf32, #tpu.memory_space<vmem>>
      %dma_wait3A_266 = arith.constant 0 : i32
      %dma_wait3A_267 = tpu.memref_slice %arg3[%add3A_135, %dma_wait3A_266] : memref<4096x2048xf32, #tpu.memory_space<hbm>> -> memref<8x2048xf32, #tpu.memory_space<hbm>>
      %dma_wait3A_268 = arith.constant 0 : i32
      %dma_wait3A_269 = tpu.memref_slice %arg3[%add3A_135, %dma_wait3A_268] : memref<4096x2048xf32, #tpu.memory_space<hbm>> -> memref<8x2048xf32, #tpu.memory_space<hbm>>
      %dma_wait3A_270 = arith.constant 0 : i32
      %dma_wait3A_271 = arith.constant 0 : i32
      %dma_wait3A_272 = tpu.memref_slice %run_scoped3A[%dma_wait3A_261, %dma_wait3A_270, %dma_wait3A_271] : memref<4x8x2048xf32, #tpu.memory_space<vmem>> -> memref<1x8x2048xf32, #tpu.memory_space<vmem>>
      %dma_wait3A_273 = tpu.memref_squeeze %dma_wait3A_272 : memref<1x8x2048xf32, #tpu.memory_space<vmem>> -> memref<8x2048xf32, #tpu.memory_space<vmem>>
      tpu.wait_dma2 semaphore(%run_scoped3A_2 : memref<!tpu.dma_semaphore, #tpu.memory_space<semaphore_mem>>) src(%dma_wait3A_273 : memref<8x2048xf32, #tpu.memory_space<vmem>>) dst(%dma_wait3A_269 : memref<8x2048xf32, #tpu.memory_space<hbm>>)
      %add3A_274 = arith.constant 48 : i32
      %add3A_275 = arith.addi %add3A_6, %add3A_274 : i32
      %dma_start3A_276 = arith.constant 2 : i32
      %dma_start3A_277 = arith.constant 0 : i32
      %dma_start3A_278 = arith.constant 0 : i32
      %dma_start3A_279 = tpu.memref_slice %run_scoped3A[%dma_start3A_276, %dma_start3A_277, %dma_start3A_278] : memref<4x8x2048xf32, #tpu.memory_space<vmem>> -> memref<1x8x2048xf32, #tpu.memory_space<vmem>>
      %dma_start3A_280 = tpu.memref_squeeze %dma_start3A_279 : memref<1x8x2048xf32, #tpu.memory_space<vmem>> -> memref<8x2048xf32, #tpu.memory_space<vmem>>
      %dma_start3A_281 = arith.constant 0 : i32
      %dma_start3A_282 = tpu.memref_slice %arg2[%add3A_275, %dma_start3A_281] : memref<4096x2048xf32, #tpu.memory_space<hbm>> -> memref<8x2048xf32, #tpu.memory_space<hbm>>
      %dma_start3A_283 = arith.constant 0 : i32
      %dma_start3A_284 = arith.constant 0 : i32
      %dma_start3A_285 = tpu.memref_slice %run_scoped3A[%dma_start3A_276, %dma_start3A_283, %dma_start3A_284] : memref<4x8x2048xf32, #tpu.memory_space<vmem>> -> memref<1x8x2048xf32, #tpu.memory_space<vmem>>
      %dma_start3A_286 = tpu.memref_squeeze %dma_start3A_285 : memref<1x8x2048xf32, #tpu.memory_space<vmem>> -> memref<8x2048xf32, #tpu.memory_space<vmem>>
      %dma_start3A_287 = arith.constant 0 : i32
      %dma_start3A_288 = tpu.memref_slice %arg2[%add3A_275, %dma_start3A_287] : memref<4096x2048xf32, #tpu.memory_space<hbm>> -> memref<8x2048xf32, #tpu.memory_space<hbm>>
      tpu.enqueue_dma source(%dma_start3A_288 : memref<8x2048xf32, #tpu.memory_space<hbm>>) target(%dma_start3A_286 : memref<8x2048xf32, #tpu.memory_space<vmem>>) target_semaphore(%run_scoped3A_1 : memref<!tpu.dma_semaphore, #tpu.memory_space<semaphore_mem>>)
      %dma_wait3A_289 = arith.constant 1 : i32
      %dma_wait3A_290 = arith.constant 0 : i32
      %dma_wait3A_291 = arith.constant 0 : i32
      %dma_wait3A_292 = tpu.memref_slice %run_scoped3A[%dma_wait3A_289, %dma_wait3A_290, %dma_wait3A_291] : memref<4x8x2048xf32, #tpu.memory_space<vmem>> -> memref<1x8x2048xf32, #tpu.memory_space<vmem>>
      %dma_wait3A_293 = tpu.memref_squeeze %dma_wait3A_292 : memref<1x8x2048xf32, #tpu.memory_space<vmem>> -> memref<8x2048xf32, #tpu.memory_space<vmem>>
      %dma_wait3A_294 = arith.constant 0 : i32
      %dma_wait3A_295 = tpu.memref_slice %arg2[%add3A_219, %dma_wait3A_294] : memref<4096x2048xf32, #tpu.memory_space<hbm>> -> memref<8x2048xf32, #tpu.memory_space<hbm>>
      %dma_wait3A_296 = arith.constant 0 : i32
      %dma_wait3A_297 = arith.constant 0 : i32
      %dma_wait3A_298 = tpu.memref_slice %run_scoped3A[%dma_wait3A_289, %dma_wait3A_296, %dma_wait3A_297] : memref<4x8x2048xf32, #tpu.memory_space<vmem>> -> memref<1x8x2048xf32, #tpu.memory_space<vmem>>
      %dma_wait3A_299 = tpu.memref_squeeze %dma_wait3A_298 : memref<1x8x2048xf32, #tpu.memory_space<vmem>> -> memref<8x2048xf32, #tpu.memory_space<vmem>>
      %dma_wait3A_300 = arith.constant 0 : i32
      %dma_wait3A_301 = tpu.memref_slice %arg2[%add3A_219, %dma_wait3A_300] : memref<4096x2048xf32, #tpu.memory_space<hbm>> -> memref<8x2048xf32, #tpu.memory_space<hbm>>
      tpu.wait_dma2 semaphore(%run_scoped3A_1 : memref<!tpu.dma_semaphore, #tpu.memory_space<semaphore_mem>>) src(%dma_wait3A_301 : memref<8x2048xf32, #tpu.memory_space<hbm>>) dst(%dma_wait3A_299 : memref<8x2048xf32, #tpu.memory_space<vmem>>)
      %add3A_302 = arith.constant 40 : i32
      %add3A_303 = arith.addi %add3A_6, %add3A_302 : i32
      %dma_start3A_304 = arith.constant 1 : i32
      %dma_start3A_305 = arith.constant 0 : i32
      %dma_start3A_306 = arith.constant 0 : i32
      %dma_start3A_307 = tpu.memref_slice %run_scoped3A[%dma_start3A_304, %dma_start3A_305, %dma_start3A_306] : memref<4x8x2048xf32, #tpu.memory_space<vmem>> -> memref<1x8x2048xf32, #tpu.memory_space<vmem>>
      %dma_start3A_308 = tpu.memref_squeeze %dma_start3A_307 : memref<1x8x2048xf32, #tpu.memory_space<vmem>> -> memref<8x2048xf32, #tpu.memory_space<vmem>>
      %dma_start3A_309 = arith.constant 0 : i32
      %dma_start3A_310 = tpu.memref_slice %arg3[%add3A_303, %dma_start3A_309] : memref<4096x2048xf32, #tpu.memory_space<hbm>> -> memref<8x2048xf32, #tpu.memory_space<hbm>>
      %dma_start3A_311 = arith.constant 0 : i32
      %dma_start3A_312 = tpu.memref_slice %arg3[%add3A_303, %dma_start3A_311] : memref<4096x2048xf32, #tpu.memory_space<hbm>> -> memref<8x2048xf32, #tpu.memory_space<hbm>>
      %dma_start3A_313 = arith.constant 0 : i32
      %dma_start3A_314 = arith.constant 0 : i32
      %dma_start3A_315 = tpu.memref_slice %run_scoped3A[%dma_start3A_304, %dma_start3A_313, %dma_start3A_314] : memref<4x8x2048xf32, #tpu.memory_space<vmem>> -> memref<1x8x2048xf32, #tpu.memory_space<vmem>>
      %dma_start3A_316 = tpu.memref_squeeze %dma_start3A_315 : memref<1x8x2048xf32, #tpu.memory_space<vmem>> -> memref<8x2048xf32, #tpu.memory_space<vmem>>
      tpu.enqueue_dma source(%dma_start3A_316 : memref<8x2048xf32, #tpu.memory_space<vmem>>) target(%dma_start3A_312 : memref<8x2048xf32, #tpu.memory_space<hbm>>) target_semaphore(%run_scoped3A_2 : memref<!tpu.dma_semaphore, #tpu.memory_space<semaphore_mem>>)
      %dma_wait3A_317 = arith.constant 3 : i32
      %dma_wait3A_318 = arith.constant 0 : i32
      %dma_wait3A_319 = arith.constant 0 : i32
      %dma_wait3A_320 = tpu.memref_slice %run_scoped3A[%dma_wait3A_317, %dma_wait3A_318, %dma_wait3A_319] : memref<4x8x2048xf32, #tpu.memory_space<vmem>> -> memref<1x8x2048xf32, #tpu.memory_space<vmem>>
      %dma_wait3A_321 = tpu.memref_squeeze %dma_wait3A_320 : memref<1x8x2048xf32, #tpu.memory_space<vmem>> -> memref<8x2048xf32, #tpu.memory_space<vmem>>
      %dma_wait3A_322 = arith.constant 0 : i32
      %dma_wait3A_323 = tpu.memref_slice %arg3[%add3A_191, %dma_wait3A_322] : memref<4096x2048xf32, #tpu.memory_space<hbm>> -> memref<8x2048xf32, #tpu.memory_space<hbm>>
      %dma_wait3A_324 = arith.constant 0 : i32
      %dma_wait3A_325 = tpu.memref_slice %arg3[%add3A_191, %dma_wait3A_324] : memref<4096x2048xf32, #tpu.memory_space<hbm>> -> memref<8x2048xf32, #tpu.memory_space<hbm>>
      %dma_wait3A_326 = arith.constant 0 : i32
      %dma_wait3A_327 = arith.constant 0 : i32
      %dma_wait3A_328 = tpu.memref_slice %run_scoped3A[%dma_wait3A_317, %dma_wait3A_326, %dma_wait3A_327] : memref<4x8x2048xf32, #tpu.memory_space<vmem>> -> memref<1x8x2048xf32, #tpu.memory_space<vmem>>
      %dma_wait3A_329 = tpu.memref_squeeze %dma_wait3A_328 : memref<1x8x2048xf32, #tpu.memory_space<vmem>> -> memref<8x2048xf32, #tpu.memory_space<vmem>>
      tpu.wait_dma2 semaphore(%run_scoped3A_2 : memref<!tpu.dma_semaphore, #tpu.memory_space<semaphore_mem>>) src(%dma_wait3A_329 : memref<8x2048xf32, #tpu.memory_space<vmem>>) dst(%dma_wait3A_325 : memref<8x2048xf32, #tpu.memory_space<hbm>>)
      %add3A_330 = arith.constant 56 : i32
      %add3A_331 = arith.addi %add3A_6, %add3A_330 : i32
      %dma_start3A_332 = arith.constant 3 : i32
      %dma_start3A_333 = arith.constant 0 : i32
      %dma_start3A_334 = arith.constant 0 : i32
      %dma_start3A_335 = tpu.memref_slice %run_scoped3A[%dma_start3A_332, %dma_start3A_333, %dma_start3A_334] : memref<4x8x2048xf32, #tpu.memory_space<vmem>> -> memref<1x8x2048xf32, #tpu.memory_space<vmem>>
      %dma_start3A_336 = tpu.memref_squeeze %dma_start3A_335 : memref<1x8x2048xf32, #tpu.memory_space<vmem>> -> memref<8x2048xf32, #tpu.memory_space<vmem>>
      %dma_start3A_337 = arith.constant 0 : i32
      %dma_start3A_338 = tpu.memref_slice %arg2[%add3A_331, %dma_start3A_337] : memref<4096x2048xf32, #tpu.memory_space<hbm>> -> memref<8x2048xf32, #tpu.memory_space<hbm>>
      %dma_start3A_339 = arith.constant 0 : i32
      %dma_start3A_340 = arith.constant 0 : i32
      %dma_start3A_341 = tpu.memref_slice %run_scoped3A[%dma_start3A_332, %dma_start3A_339, %dma_start3A_340] : memref<4x8x2048xf32, #tpu.memory_space<vmem>> -> memref<1x8x2048xf32, #tpu.memory_space<vmem>>
      %dma_start3A_342 = tpu.memref_squeeze %dma_start3A_341 : memref<1x8x2048xf32, #tpu.memory_space<vmem>> -> memref<8x2048xf32, #tpu.memory_space<vmem>>
      %dma_start3A_343 = arith.constant 0 : i32
      %dma_start3A_344 = tpu.memref_slice %arg2[%add3A_331, %dma_start3A_343] : memref<4096x2048xf32, #tpu.memory_space<hbm>> -> memref<8x2048xf32, #tpu.memory_space<hbm>>
      tpu.enqueue_dma source(%dma_start3A_344 : memref<8x2048xf32, #tpu.memory_space<hbm>>) target(%dma_start3A_342 : memref<8x2048xf32, #tpu.memory_space<vmem>>) target_semaphore(%run_scoped3A_1 : memref<!tpu.dma_semaphore, #tpu.memory_space<semaphore_mem>>)
      %dma_wait3A_345 = arith.constant 2 : i32
      %dma_wait3A_346 = arith.constant 0 : i32
      %dma_wait3A_347 = arith.constant 0 : i32
      %dma_wait3A_348 = tpu.memref_slice %run_scoped3A[%dma_wait3A_345, %dma_wait3A_346, %dma_wait3A_347] : memref<4x8x2048xf32, #tpu.memory_space<vmem>> -> memref<1x8x2048xf32, #tpu.memory_space<vmem>>
      %dma_wait3A_349 = tpu.memref_squeeze %dma_wait3A_348 : memref<1x8x2048xf32, #tpu.memory_space<vmem>> -> memref<8x2048xf32, #tpu.memory_space<vmem>>
      %dma_wait3A_350 = arith.constant 0 : i32
      %dma_wait3A_351 = tpu.memref_slice %arg2[%add3A_275, %dma_wait3A_350] : memref<4096x2048xf32, #tpu.memory_space<hbm>> -> memref<8x2048xf32, #tpu.memory_space<hbm>>
      %dma_wait3A_352 = arith.constant 0 : i32
      %dma_wait3A_353 = arith.constant 0 : i32
      %dma_wait3A_354 = tpu.memref_slice %run_scoped3A[%dma_wait3A_345, %dma_wait3A_352, %dma_wait3A_353] : memref<4x8x2048xf32, #tpu.memory_space<vmem>> -> memref<1x8x2048xf32, #tpu.memory_space<vmem>>
      %dma_wait3A_355 = tpu.memref_squeeze %dma_wait3A_354 : memref<1x8x2048xf32, #tpu.memory_space<vmem>> -> memref<8x2048xf32, #tpu.memory_space<vmem>>
      %dma_wait3A_356 = arith.constant 0 : i32
      %dma_wait3A_357 = tpu.memref_slice %arg2[%add3A_275, %dma_wait3A_356] : memref<4096x2048xf32, #tpu.memory_space<hbm>> -> memref<8x2048xf32, #tpu.memory_space<hbm>>
      tpu.wait_dma2 semaphore(%run_scoped3A_1 : memref<!tpu.dma_semaphore, #tpu.memory_space<semaphore_mem>>) src(%dma_wait3A_357 : memref<8x2048xf32, #tpu.memory_space<hbm>>) dst(%dma_wait3A_355 : memref<8x2048xf32, #tpu.memory_space<vmem>>)
      %add3A_358 = arith.constant 48 : i32
      %add3A_359 = arith.addi %add3A_6, %add3A_358 : i32
      %dma_start3A_360 = arith.constant 2 : i32
      %dma_start3A_361 = arith.constant 0 : i32
      %dma_start3A_362 = arith.constant 0 : i32
      %dma_start3A_363 = tpu.memref_slice %run_scoped3A[%dma_start3A_360, %dma_start3A_361, %dma_start3A_362] : memref<4x8x2048xf32, #tpu.memory_space<vmem>> -> memref<1x8x2048xf32, #tpu.memory_space<vmem>>
      %dma_start3A_364 = tpu.memref_squeeze %dma_start3A_363 : memref<1x8x2048xf32, #tpu.memory_space<vmem>> -> memref<8x2048xf32, #tpu.memory_space<vmem>>
      %dma_start3A_365 = arith.constant 0 : i32
      %dma_start3A_366 = tpu.memref_slice %arg3[%add3A_359, %dma_start3A_365] : memref<4096x2048xf32, #tpu.memory_space<hbm>> -> memref<8x2048xf32, #tpu.memory_space<hbm>>
      %dma_start3A_367 = arith.constant 0 : i32
      %dma_start3A_368 = tpu.memref_slice %arg3[%add3A_359, %dma_start3A_367] : memref<4096x2048xf32, #tpu.memory_space<hbm>> -> memref<8x2048xf32, #tpu.memory_space<hbm>>
      %dma_start3A_369 = arith.constant 0 : i32
      %dma_start3A_370 = arith.constant 0 : i32
      %dma_start3A_371 = tpu.memref_slice %run_scoped3A[%dma_start3A_360, %dma_start3A_369, %dma_start3A_370] : memref<4x8x2048xf32, #tpu.memory_space<vmem>> -> memref<1x8x2048xf32, #tpu.memory_space<vmem>>
      %dma_start3A_372 = tpu.memref_squeeze %dma_start3A_371 : memref<1x8x2048xf32, #tpu.memory_space<vmem>> -> memref<8x2048xf32, #tpu.memory_space<vmem>>
      tpu.enqueue_dma source(%dma_start3A_372 : memref<8x2048xf32, #tpu.memory_space<vmem>>) target(%dma_start3A_368 : memref<8x2048xf32, #tpu.memory_space<hbm>>) target_semaphore(%run_scoped3A_2 : memref<!tpu.dma_semaphore, #tpu.memory_space<semaphore_mem>>)
      %dma_wait3A_373 = arith.constant 0 : i32
      %dma_wait3A_374 = arith.constant 0 : i32
      %dma_wait3A_375 = arith.constant 0 : i32
      %dma_wait3A_376 = tpu.memref_slice %run_scoped3A[%dma_wait3A_373, %dma_wait3A_374, %dma_wait3A_375] : memref<4x8x2048xf32, #tpu.memory_space<vmem>> -> memref<1x8x2048xf32, #tpu.memory_space<vmem>>
      %dma_wait3A_377 = tpu.memref_squeeze %dma_wait3A_376 : memref<1x8x2048xf32, #tpu.memory_space<vmem>> -> memref<8x2048xf32, #tpu.memory_space<vmem>>
      %dma_wait3A_378 = arith.constant 0 : i32
      %dma_wait3A_379 = tpu.memref_slice %arg3[%add3A_247, %dma_wait3A_378] : memref<4096x2048xf32, #tpu.memory_space<hbm>> -> memref<8x2048xf32, #tpu.memory_space<hbm>>
      %dma_wait3A_380 = arith.constant 0 : i32
      %dma_wait3A_381 = tpu.memref_slice %arg3[%add3A_247, %dma_wait3A_380] : memref<4096x2048xf32, #tpu.memory_space<hbm>> -> memref<8x2048xf32, #tpu.memory_space<hbm>>
      %dma_wait3A_382 = arith.constant 0 : i32
      %dma_wait3A_383 = arith.constant 0 : i32
      %dma_wait3A_384 = tpu.memref_slice %run_scoped3A[%dma_wait3A_373, %dma_wait3A_382, %dma_wait3A_383] : memref<4x8x2048xf32, #tpu.memory_space<vmem>> -> memref<1x8x2048xf32, #tpu.memory_space<vmem>>
      %dma_wait3A_385 = tpu.memref_squeeze %dma_wait3A_384 : memref<1x8x2048xf32, #tpu.memory_space<vmem>> -> memref<8x2048xf32, #tpu.memory_space<vmem>>
      tpu.wait_dma2 semaphore(%run_scoped3A_2 : memref<!tpu.dma_semaphore, #tpu.memory_space<semaphore_mem>>) src(%dma_wait3A_385 : memref<8x2048xf32, #tpu.memory_space<vmem>>) dst(%dma_wait3A_381 : memref<8x2048xf32, #tpu.memory_space<hbm>>)
      %add3A_386 = arith.constant 64 : i32
      %add3A_387 = arith.addi %add3A_6, %add3A_386 : i32
      %dma_start3A_388 = arith.constant 0 : i32
      %dma_start3A_389 = arith.constant 0 : i32
      %dma_start3A_390 = arith.constant 0 : i32
      %dma_start3A_391 = tpu.memref_slice %run_scoped3A[%dma_start3A_388, %dma_start3A_389, %dma_start3A_390] : memref<4x8x2048xf32, #tpu.memory_space<vmem>> -> memref<1x8x2048xf32, #tpu.memory_space<vmem>>
      %dma_start3A_392 = tpu.memref_squeeze %dma_start3A_391 : memref<1x8x2048xf32, #tpu.memory_space<vmem>> -> memref<8x2048xf32, #tpu.memory_space<vmem>>
      %dma_start3A_393 = arith.constant 0 : i32
      %dma_start3A_394 = tpu.memref_slice %arg2[%add3A_387, %dma_start3A_393] : memref<4096x2048xf32, #tpu.memory_space<hbm>> -> memref<8x2048xf32, #tpu.memory_space<hbm>>
      %dma_start3A_395 = arith.constant 0 : i32
      %dma_start3A_396 = arith.constant 0 : i32
      %dma_start3A_397 = tpu.memref_slice %run_scoped3A[%dma_start3A_388, %dma_start3A_395, %dma_start3A_396] : memref<4x8x2048xf32, #tpu.memory_space<vmem>> -> memref<1x8x2048xf32, #tpu.memory_space<vmem>>
      %dma_start3A_398 = tpu.memref_squeeze %dma_start3A_397 : memref<1x8x2048xf32, #tpu.memory_space<vmem>> -> memref<8x2048xf32, #tpu.memory_space<vmem>>
      %dma_start3A_399 = arith.constant 0 : i32
      %dma_start3A_400 = tpu.memref_slice %arg2[%add3A_387, %dma_start3A_399] : memref<4096x2048xf32, #tpu.memory_space<hbm>> -> memref<8x2048xf32, #tpu.memory_space<hbm>>
      tpu.enqueue_dma source(%dma_start3A_400 : memref<8x2048xf32, #tpu.memory_space<hbm>>) target(%dma_start3A_398 : memref<8x2048xf32, #tpu.memory_space<vmem>>) target_semaphore(%run_scoped3A_1 : memref<!tpu.dma_semaphore, #tpu.memory_space<semaphore_mem>>)
      %dma_wait3A_401 = arith.constant 3 : i32
      %dma_wait3A_402 = arith.constant 0 : i32
      %dma_wait3A_403 = arith.constant 0 : i32
      %dma_wait3A_404 = tpu.memref_slice %run_scoped3A[%dma_wait3A_401, %dma_wait3A_402, %dma_wait3A_403] : memref<4x8x2048xf32, #tpu.memory_space<vmem>> -> memref<1x8x2048xf32, #tpu.memory_space<vmem>>
      %dma_wait3A_405 = tpu.memref_squeeze %dma_wait3A_404 : memref<1x8x2048xf32, #tpu.memory_space<vmem>> -> memref<8x2048xf32, #tpu.memory_space<vmem>>
      %dma_wait3A_406 = arith.constant 0 : i32
      %dma_wait3A_407 = tpu.memref_slice %arg2[%add3A_331, %dma_wait3A_406] : memref<4096x2048xf32, #tpu.memory_space<hbm>> -> memref<8x2048xf32, #tpu.memory_space<hbm>>
      %dma_wait3A_408 = arith.constant 0 : i32
      %dma_wait3A_409 = arith.constant 0 : i32
      %dma_wait3A_410 = tpu.memref_slice %run_scoped3A[%dma_wait3A_401, %dma_wait3A_408, %dma_wait3A_409] : memref<4x8x2048xf32, #tpu.memory_space<vmem>> -> memref<1x8x2048xf32, #tpu.memory_space<vmem>>
      %dma_wait3A_411 = tpu.memref_squeeze %dma_wait3A_410 : memref<1x8x2048xf32, #tpu.memory_space<vmem>> -> memref<8x2048xf32, #tpu.memory_space<vmem>>
      %dma_wait3A_412 = arith.constant 0 : i32
      %dma_wait3A_413 = tpu.memref_slice %arg2[%add3A_331, %dma_wait3A_412] : memref<4096x2048xf32, #tpu.memory_space<hbm>> -> memref<8x2048xf32, #tpu.memory_space<hbm>>
      tpu.wait_dma2 semaphore(%run_scoped3A_1 : memref<!tpu.dma_semaphore, #tpu.memory_space<semaphore_mem>>) src(%dma_wait3A_413 : memref<8x2048xf32, #tpu.memory_space<hbm>>) dst(%dma_wait3A_411 : memref<8x2048xf32, #tpu.memory_space<vmem>>)
      %add3A_414 = arith.constant 56 : i32
      %add3A_415 = arith.addi %add3A_6, %add3A_414 : i32
      %dma_start3A_416 = arith.constant 3 : i32
      %dma_start3A_417 = arith.constant 0 : i32
      %dma_start3A_418 = arith.constant 0 : i32
      %dma_start3A_419 = tpu.memref_slice %run_scoped3A[%dma_start3A_416, %dma_start3A_417, %dma_start3A_418] : memref<4x8x2048xf32, #tpu.memory_space<vmem>> -> memref<1x8x2048xf32, #tpu.memory_space<vmem>>
      %dma_start3A_420 = tpu.memref_squeeze %dma_start3A_419 : memref<1x8x2048xf32, #tpu.memory_space<vmem>> -> memref<8x2048xf32, #tpu.memory_space<vmem>>
      %dma_start3A_421 = arith.constant 0 : i32
      %dma_start3A_422 = tpu.memref_slice %arg3[%add3A_415, %dma_start3A_421] : memref<4096x2048xf32, #tpu.memory_space<hbm>> -> memref<8x2048xf32, #tpu.memory_space<hbm>>
      %dma_start3A_423 = arith.constant 0 : i32
      %dma_start3A_424 = tpu.memref_slice %arg3[%add3A_415, %dma_start3A_423] : memref<4096x2048xf32, #tpu.memory_space<hbm>> -> memref<8x2048xf32, #tpu.memory_space<hbm>>
      %dma_start3A_425 = arith.constant 0 : i32
      %dma_start3A_426 = arith.constant 0 : i32
      %dma_start3A_427 = tpu.memref_slice %run_scoped3A[%dma_start3A_416, %dma_start3A_425, %dma_start3A_426] : memref<4x8x2048xf32, #tpu.memory_space<vmem>> -> memref<1x8x2048xf32, #tpu.memory_space<vmem>>
      %dma_start3A_428 = tpu.memref_squeeze %dma_start3A_427 : memref<1x8x2048xf32, #tpu.memory_space<vmem>> -> memref<8x2048xf32, #tpu.memory_space<vmem>>
      tpu.enqueue_dma source(%dma_start3A_428 : memref<8x2048xf32, #tpu.memory_space<vmem>>) target(%dma_start3A_424 : memref<8x2048xf32, #tpu.memory_space<hbm>>) target_semaphore(%run_scoped3A_2 : memref<!tpu.dma_semaphore, #tpu.memory_space<semaphore_mem>>)
      %dma_wait3A_429 = arith.constant 1 : i32
      %dma_wait3A_430 = arith.constant 0 : i32
      %dma_wait3A_431 = arith.constant 0 : i32
      %dma_wait3A_432 = tpu.memref_slice %run_scoped3A[%dma_wait3A_429, %dma_wait3A_430, %dma_wait3A_431] : memref<4x8x2048xf32, #tpu.memory_space<vmem>> -> memref<1x8x2048xf32, #tpu.memory_space<vmem>>
      %dma_wait3A_433 = tpu.memref_squeeze %dma_wait3A_432 : memref<1x8x2048xf32, #tpu.memory_space<vmem>> -> memref<8x2048xf32, #tpu.memory_space<vmem>>
      %dma_wait3A_434 = arith.constant 0 : i32
      %dma_wait3A_435 = tpu.memref_slice %arg3[%add3A_303, %dma_wait3A_434] : memref<4096x2048xf32, #tpu.memory_space<hbm>> -> memref<8x2048xf32, #tpu.memory_space<hbm>>
      %dma_wait3A_436 = arith.constant 0 : i32
      %dma_wait3A_437 = tpu.memref_slice %arg3[%add3A_303, %dma_wait3A_436] : memref<4096x2048xf32, #tpu.memory_space<hbm>> -> memref<8x2048xf32, #tpu.memory_space<hbm>>
      %dma_wait3A_438 = arith.constant 0 : i32
      %dma_wait3A_439 = arith.constant 0 : i32
      %dma_wait3A_440 = tpu.memref_slice %run_scoped3A[%dma_wait3A_429, %dma_wait3A_438, %dma_wait3A_439] : memref<4x8x2048xf32, #tpu.memory_space<vmem>> -> memref<1x8x2048xf32, #tpu.memory_space<vmem>>
      %dma_wait3A_441 = tpu.memref_squeeze %dma_wait3A_440 : memref<1x8x2048xf32, #tpu.memory_space<vmem>> -> memref<8x2048xf32, #tpu.memory_space<vmem>>
      tpu.wait_dma2 semaphore(%run_scoped3A_2 : memref<!tpu.dma_semaphore, #tpu.memory_space<semaphore_mem>>) src(%dma_wait3A_441 : memref<8x2048xf32, #tpu.memory_space<vmem>>) dst(%dma_wait3A_437 : memref<8x2048xf32, #tpu.memory_space<hbm>>)
      %add3A_442 = arith.constant 72 : i32
      %add3A_443 = arith.addi %add3A_6, %add3A_442 : i32
      %dma_start3A_444 = arith.constant 1 : i32
      %dma_start3A_445 = arith.constant 0 : i32
      %dma_start3A_446 = arith.constant 0 : i32
      %dma_start3A_447 = tpu.memref_slice %run_scoped3A[%dma_start3A_444, %dma_start3A_445, %dma_start3A_446] : memref<4x8x2048xf32, #tpu.memory_space<vmem>> -> memref<1x8x2048xf32, #tpu.memory_space<vmem>>
      %dma_start3A_448 = tpu.memref_squeeze %dma_start3A_447 : memref<1x8x2048xf32, #tpu.memory_space<vmem>> -> memref<8x2048xf32, #tpu.memory_space<vmem>>
      %dma_start3A_449 = arith.constant 0 : i32
      %dma_start3A_450 = tpu.memref_slice %arg2[%add3A_443, %dma_start3A_449] : memref<4096x2048xf32, #tpu.memory_space<hbm>> -> memref<8x2048xf32, #tpu.memory_space<hbm>>
      %dma_start3A_451 = arith.constant 0 : i32
      %dma_start3A_452 = arith.constant 0 : i32
      %dma_start3A_453 = tpu.memref_slice %run_scoped3A[%dma_start3A_444, %dma_start3A_451, %dma_start3A_452] : memref<4x8x2048xf32, #tpu.memory_space<vmem>> -> memref<1x8x2048xf32, #tpu.memory_space<vmem>>
      %dma_start3A_454 = tpu.memref_squeeze %dma_start3A_453 : memref<1x8x2048xf32, #tpu.memory_space<vmem>> -> memref<8x2048xf32, #tpu.memory_space<vmem>>
      %dma_start3A_455 = arith.constant 0 : i32
      %dma_start3A_456 = tpu.memref_slice %arg2[%add3A_443, %dma_start3A_455] : memref<4096x2048xf32, #tpu.memory_space<hbm>> -> memref<8x2048xf32, #tpu.memory_space<hbm>>
      tpu.enqueue_dma source(%dma_start3A_456 : memref<8x2048xf32, #tpu.memory_space<hbm>>) target(%dma_start3A_454 : memref<8x2048xf32, #tpu.memory_space<vmem>>) target_semaphore(%run_scoped3A_1 : memref<!tpu.dma_semaphore, #tpu.memory_space<semaphore_mem>>)
      %dma_wait3A_457 = arith.constant 0 : i32
      %dma_wait3A_458 = arith.constant 0 : i32
      %dma_wait3A_459 = arith.constant 0 : i32
      %dma_wait3A_460 = tpu.memref_slice %run_scoped3A[%dma_wait3A_457, %dma_wait3A_458, %dma_wait3A_459] : memref<4x8x2048xf32, #tpu.memory_space<vmem>> -> memref<1x8x2048xf32, #tpu.memory_space<vmem>>
      %dma_wait3A_461 = tpu.memref_squeeze %dma_wait3A_460 : memref<1x8x2048xf32, #tpu.memory_space<vmem>> -> memref<8x2048xf32, #tpu.memory_space<vmem>>
      %dma_wait3A_462 = arith.constant 0 : i32
      %dma_wait3A_463 = tpu.memref_slice %arg2[%add3A_387, %dma_wait3A_462] : memref<4096x2048xf32, #tpu.memory_space<hbm>> -> memref<8x2048xf32, #tpu.memory_space<hbm>>
      %dma_wait3A_464 = arith.constant 0 : i32
      %dma_wait3A_465 = arith.constant 0 : i32
      %dma_wait3A_466 = tpu.memref_slice %run_scoped3A[%dma_wait3A_457, %dma_wait3A_464, %dma_wait3A_465] : memref<4x8x2048xf32, #tpu.memory_space<vmem>> -> memref<1x8x2048xf32, #tpu.memory_space<vmem>>
      %dma_wait3A_467 = tpu.memref_squeeze %dma_wait3A_466 : memref<1x8x2048xf32, #tpu.memory_space<vmem>> -> memref<8x2048xf32, #tpu.memory_space<vmem>>
      %dma_wait3A_468 = arith.constant 0 : i32
      %dma_wait3A_469 = tpu.memref_slice %arg2[%add3A_387, %dma_wait3A_468] : memref<4096x2048xf32, #tpu.memory_space<hbm>> -> memref<8x2048xf32, #tpu.memory_space<hbm>>
      tpu.wait_dma2 semaphore(%run_scoped3A_1 : memref<!tpu.dma_semaphore, #tpu.memory_space<semaphore_mem>>) src(%dma_wait3A_469 : memref<8x2048xf32, #tpu.memory_space<hbm>>) dst(%dma_wait3A_467 : memref<8x2048xf32, #tpu.memory_space<vmem>>)
      %add3A_470 = arith.constant 64 : i32
      %add3A_471 = arith.addi %add3A_6, %add3A_470 : i32
      %dma_start3A_472 = arith.constant 0 : i32
      %dma_start3A_473 = arith.constant 0 : i32
      %dma_start3A_474 = arith.constant 0 : i32
      %dma_start3A_475 = tpu.memref_slice %run_scoped3A[%dma_start3A_472, %dma_start3A_473, %dma_start3A_474] : memref<4x8x2048xf32, #tpu.memory_space<vmem>> -> memref<1x8x2048xf32, #tpu.memory_space<vmem>>
      %dma_start3A_476 = tpu.memref_squeeze %dma_start3A_475 : memref<1x8x2048xf32, #tpu.memory_space<vmem>> -> memref<8x2048xf32, #tpu.memory_space<vmem>>
      %dma_start3A_477 = arith.constant 0 : i32
      %dma_start3A_478 = tpu.memref_slice %arg3[%add3A_471, %dma_start3A_477] : memref<4096x2048xf32, #tpu.memory_space<hbm>> -> memref<8x2048xf32, #tpu.memory_space<hbm>>
      %dma_start3A_479 = arith.constant 0 : i32
      %dma_start3A_480 = tpu.memref_slice %arg3[%add3A_471, %dma_start3A_479] : memref<4096x2048xf32, #tpu.memory_space<hbm>> -> memref<8x2048xf32, #tpu.memory_space<hbm>>
      %dma_start3A_481 = arith.constant 0 : i32
      %dma_start3A_482 = arith.constant 0 : i32
      %dma_start3A_483 = tpu.memref_slice %run_scoped3A[%dma_start3A_472, %dma_start3A_481, %dma_start3A_482] : memref<4x8x2048xf32, #tpu.memory_space<vmem>> -> memref<1x8x2048xf32, #tpu.memory_space<vmem>>
      %dma_start3A_484 = tpu.memref_squeeze %dma_start3A_483 : memref<1x8x2048xf32, #tpu.memory_space<vmem>> -> memref<8x2048xf32, #tpu.memory_space<vmem>>
      tpu.enqueue_dma source(%dma_start3A_484 : memref<8x2048xf32, #tpu.memory_space<vmem>>) target(%dma_start3A_480 : memref<8x2048xf32, #tpu.memory_space<hbm>>) target_semaphore(%run_scoped3A_2 : memref<!tpu.dma_semaphore, #tpu.memory_space<semaphore_mem>>)
      %dma_wait3A_485 = arith.constant 1 : i32
      %dma_wait3A_486 = arith.constant 0 : i32
      %dma_wait3A_487 = arith.constant 0 : i32
      %dma_wait3A_488 = tpu.memref_slice %run_scoped3A[%dma_wait3A_485, %dma_wait3A_486, %dma_wait3A_487] : memref<4x8x2048xf32, #tpu.memory_space<vmem>> -> memref<1x8x2048xf32, #tpu.memory_space<vmem>>
      %dma_wait3A_489 = tpu.memref_squeeze %dma_wait3A_488 : memref<1x8x2048xf32, #tpu.memory_space<vmem>> -> memref<8x2048xf32, #tpu.memory_space<vmem>>
      %dma_wait3A_490 = arith.constant 0 : i32
      %dma_wait3A_491 = tpu.memref_slice %arg2[%add3A_443, %dma_wait3A_490] : memref<4096x2048xf32, #tpu.memory_space<hbm>> -> memref<8x2048xf32, #tpu.memory_space<hbm>>
      %dma_wait3A_492 = arith.constant 0 : i32
      %dma_wait3A_493 = arith.constant 0 : i32
      %dma_wait3A_494 = tpu.memref_slice %run_scoped3A[%dma_wait3A_485, %dma_wait3A_492, %dma_wait3A_493] : memref<4x8x2048xf32, #tpu.memory_space<vmem>> -> memref<1x8x2048xf32, #tpu.memory_space<vmem>>
      %dma_wait3A_495 = tpu.memref_squeeze %dma_wait3A_494 : memref<1x8x2048xf32, #tpu.memory_space<vmem>> -> memref<8x2048xf32, #tpu.memory_space<vmem>>
      %dma_wait3A_496 = arith.constant 0 : i32
      %dma_wait3A_497 = tpu.memref_slice %arg2[%add3A_443, %dma_wait3A_496] : memref<4096x2048xf32, #tpu.memory_space<hbm>> -> memref<8x2048xf32, #tpu.memory_space<hbm>>
      tpu.wait_dma2 semaphore(%run_scoped3A_1 : memref<!tpu.dma_semaphore, #tpu.memory_space<semaphore_mem>>) src(%dma_wait3A_497 : memref<8x2048xf32, #tpu.memory_space<hbm>>) dst(%dma_wait3A_495 : memref<8x2048xf32, #tpu.memory_space<vmem>>)
      %add3A_498 = arith.constant 72 : i32
      %add3A_499 = arith.addi %add3A_6, %add3A_498 : i32
      %dma_start3A_500 = arith.constant 1 : i32
      %dma_start3A_501 = arith.constant 0 : i32
      %dma_start3A_502 = arith.constant 0 : i32
      %dma_start3A_503 = tpu.memref_slice %run_scoped3A[%dma_start3A_500, %dma_start3A_501, %dma_start3A_502] : memref<4x8x2048xf32, #tpu.memory_space<vmem>> -> memref<1x8x2048xf32, #tpu.memory_space<vmem>>
      %dma_start3A_504 = tpu.memref_squeeze %dma_start3A_503 : memref<1x8x2048xf32, #tpu.memory_space<vmem>> -> memref<8x2048xf32, #tpu.memory_space<vmem>>
      %dma_start3A_505 = arith.constant 0 : i32
      %dma_start3A_506 = tpu.memref_slice %arg3[%add3A_499, %dma_start3A_505] : memref<4096x2048xf32, #tpu.memory_space<hbm>> -> memref<8x2048xf32, #tpu.memory_space<hbm>>
      %dma_start3A_507 = arith.constant 0 : i32
      %dma_start3A_508 = tpu.memref_slice %arg3[%add3A_499, %dma_start3A_507] : memref<4096x2048xf32, #tpu.memory_space<hbm>> -> memref<8x2048xf32, #tpu.memory_space<hbm>>
      %dma_start3A_509 = arith.constant 0 : i32
      %dma_start3A_510 = arith.constant 0 : i32
      %dma_start3A_511 = tpu.memref_slice %run_scoped3A[%dma_start3A_500, %dma_start3A_509, %dma_start3A_510] : memref<4x8x2048xf32, #tpu.memory_space<vmem>> -> memref<1x8x2048xf32, #tpu.memory_space<vmem>>
      %dma_start3A_512 = tpu.memref_squeeze %dma_start3A_511 : memref<1x8x2048xf32, #tpu.memory_space<vmem>> -> memref<8x2048xf32, #tpu.memory_space<vmem>>
      tpu.enqueue_dma source(%dma_start3A_512 : memref<8x2048xf32, #tpu.memory_space<vmem>>) target(%dma_start3A_508 : memref<8x2048xf32, #tpu.memory_space<hbm>>) target_semaphore(%run_scoped3A_2 : memref<!tpu.dma_semaphore, #tpu.memory_space<semaphore_mem>>)
      %dma_wait3A_513 = arith.constant 2 : i32
      %dma_wait3A_514 = arith.constant 0 : i32
      %dma_wait3A_515 = arith.constant 0 : i32
      %dma_wait3A_516 = tpu.memref_slice %run_scoped3A[%dma_wait3A_513, %dma_wait3A_514, %dma_wait3A_515] : memref<4x8x2048xf32, #tpu.memory_space<vmem>> -> memref<1x8x2048xf32, #tpu.memory_space<vmem>>
      %dma_wait3A_517 = tpu.memref_squeeze %dma_wait3A_516 : memref<1x8x2048xf32, #tpu.memory_space<vmem>> -> memref<8x2048xf32, #tpu.memory_space<vmem>>
      %dma_wait3A_518 = arith.constant 0 : i32
      %dma_wait3A_519 = tpu.memref_slice %arg3[%add3A_359, %dma_wait3A_518] : memref<4096x2048xf32, #tpu.memory_space<hbm>> -> memref<8x2048xf32, #tpu.memory_space<hbm>>
      %dma_wait3A_520 = arith.constant 0 : i32
      %dma_wait3A_521 = tpu.memref_slice %arg3[%add3A_359, %dma_wait3A_520] : memref<4096x2048xf32, #tpu.memory_space<hbm>> -> memref<8x2048xf32, #tpu.memory_space<hbm>>
      %dma_wait3A_522 = arith.constant 0 : i32
      %dma_wait3A_523 = arith.constant 0 : i32
      %dma_wait3A_524 = tpu.memref_slice %run_scoped3A[%dma_wait3A_513, %dma_wait3A_522, %dma_wait3A_523] : memref<4x8x2048xf32, #tpu.memory_space<vmem>> -> memref<1x8x2048xf32, #tpu.memory_space<vmem>>
      %dma_wait3A_525 = tpu.memref_squeeze %dma_wait3A_524 : memref<1x8x2048xf32, #tpu.memory_space<vmem>> -> memref<8x2048xf32, #tpu.memory_space<vmem>>
      tpu.wait_dma2 semaphore(%run_scoped3A_2 : memref<!tpu.dma_semaphore, #tpu.memory_space<semaphore_mem>>) src(%dma_wait3A_525 : memref<8x2048xf32, #tpu.memory_space<vmem>>) dst(%dma_wait3A_521 : memref<8x2048xf32, #tpu.memory_space<hbm>>)
      %dma_wait3A_526 = arith.constant 3 : i32
      %dma_wait3A_527 = arith.constant 0 : i32
      %dma_wait3A_528 = arith.constant 0 : i32
      %dma_wait3A_529 = tpu.memref_slice %run_scoped3A[%dma_wait3A_526, %dma_wait3A_527, %dma_wait3A_528] : memref<4x8x2048xf32, #tpu.memory_space<vmem>> -> memref<1x8x2048xf32, #tpu.memory_space<vmem>>
      %dma_wait3A_530 = tpu.memref_squeeze %dma_wait3A_529 : memref<1x8x2048xf32, #tpu.memory_space<vmem>> -> memref<8x2048xf32, #tpu.memory_space<vmem>>
      %dma_wait3A_531 = arith.constant 0 : i32
      %dma_wait3A_532 = tpu.memref_slice %arg3[%add3A_415, %dma_wait3A_531] : memref<4096x2048xf32, #tpu.memory_space<hbm>> -> memref<8x2048xf32, #tpu.memory_space<hbm>>
      %dma_wait3A_533 = arith.constant 0 : i32
      %dma_wait3A_534 = tpu.memref_slice %arg3[%add3A_415, %dma_wait3A_533] : memref<4096x2048xf32, #tpu.memory_space<hbm>> -> memref<8x2048xf32, #tpu.memory_space<hbm>>
      %dma_wait3A_535 = arith.constant 0 : i32
      %dma_wait3A_536 = arith.constant 0 : i32
      %dma_wait3A_537 = tpu.memref_slice %run_scoped3A[%dma_wait3A_526, %dma_wait3A_535, %dma_wait3A_536] : memref<4x8x2048xf32, #tpu.memory_space<vmem>> -> memref<1x8x2048xf32, #tpu.memory_space<vmem>>
      %dma_wait3A_538 = tpu.memref_squeeze %dma_wait3A_537 : memref<1x8x2048xf32, #tpu.memory_space<vmem>> -> memref<8x2048xf32, #tpu.memory_space<vmem>>
      tpu.wait_dma2 semaphore(%run_scoped3A_2 : memref<!tpu.dma_semaphore, #tpu.memory_space<semaphore_mem>>) src(%dma_wait3A_538 : memref<8x2048xf32, #tpu.memory_space<vmem>>) dst(%dma_wait3A_534 : memref<8x2048xf32, #tpu.memory_space<hbm>>)
      %dma_wait3A_539 = arith.constant 0 : i32
      %dma_wait3A_540 = arith.constant 0 : i32
      %dma_wait3A_541 = arith.constant 0 : i32
      %dma_wait3A_542 = tpu.memref_slice %run_scoped3A[%dma_wait3A_539, %dma_wait3A_540, %dma_wait3A_541] : memref<4x8x2048xf32, #tpu.memory_space<vmem>> -> memref<1x8x2048xf32, #tpu.memory_space<vmem>>
      %dma_wait3A_543 = tpu.memref_squeeze %dma_wait3A_542 : memref<1x8x2048xf32, #tpu.memory_space<vmem>> -> memref<8x2048xf32, #tpu.memory_space<vmem>>
      %dma_wait3A_544 = arith.constant 0 : i32
      %dma_wait3A_545 = tpu.memref_slice %arg3[%add3A_471, %dma_wait3A_544] : memref<4096x2048xf32, #tpu.memory_space<hbm>> -> memref<8x2048xf32, #tpu.memory_space<hbm>>
      %dma_wait3A_546 = arith.constant 0 : i32
      %dma_wait3A_547 = tpu.memref_slice %arg3[%add3A_471, %dma_wait3A_546] : memref<4096x2048xf32, #tpu.memory_space<hbm>> -> memref<8x2048xf32, #tpu.memory_space<hbm>>
      %dma_wait3A_548 = arith.constant 0 : i32
      %dma_wait3A_549 = arith.constant 0 : i32
      %dma_wait3A_550 = tpu.memref_slice %run_scoped3A[%dma_wait3A_539, %dma_wait3A_548, %dma_wait3A_549] : memref<4x8x2048xf32, #tpu.memory_space<vmem>> -> memref<1x8x2048xf32, #tpu.memory_space<vmem>>
      %dma_wait3A_551 = tpu.memref_squeeze %dma_wait3A_550 : memref<1x8x2048xf32, #tpu.memory_space<vmem>> -> memref<8x2048xf32, #tpu.memory_space<vmem>>
      tpu.wait_dma2 semaphore(%run_scoped3A_2 : memref<!tpu.dma_semaphore, #tpu.memory_space<semaphore_mem>>) src(%dma_wait3A_551 : memref<8x2048xf32, #tpu.memory_space<vmem>>) dst(%dma_wait3A_547 : memref<8x2048xf32, #tpu.memory_space<hbm>>)
      %dma_wait3A_552 = arith.constant 1 : i32
      %dma_wait3A_553 = arith.constant 0 : i32
      %dma_wait3A_554 = arith.constant 0 : i32
      %dma_wait3A_555 = tpu.memref_slice %run_scoped3A[%dma_wait3A_552, %dma_wait3A_553, %dma_wait3A_554] : memref<4x8x2048xf32, #tpu.memory_space<vmem>> -> memref<1x8x2048xf32, #tpu.memory_space<vmem>>
      %dma_wait3A_556 = tpu.memref_squeeze %dma_wait3A_555 : memref<1x8x2048xf32, #tpu.memory_space<vmem>> -> memref<8x2048xf32, #tpu.memory_space<vmem>>
      %dma_wait3A_557 = arith.constant 0 : i32
      %dma_wait3A_558 = tpu.memref_slice %arg3[%add3A_499, %dma_wait3A_557] : memref<4096x2048xf32, #tpu.memory_space<hbm>> -> memref<8x2048xf32, #tpu.memory_space<hbm>>
      %dma_wait3A_559 = arith.constant 0 : i32
      %dma_wait3A_560 = tpu.memref_slice %arg3[%add3A_499, %dma_wait3A_559] : memref<4096x2048xf32, #tpu.memory_space<hbm>> -> memref<8x2048xf32, #tpu.memory_space<hbm>>
      %dma_wait3A_561 = arith.constant 0 : i32
      %dma_wait3A_562 = arith.constant 0 : i32
      %dma_wait3A_563 = tpu.memref_slice %run_scoped3A[%dma_wait3A_552, %dma_wait3A_561, %dma_wait3A_562] : memref<4x8x2048xf32, #tpu.memory_space<vmem>> -> memref<1x8x2048xf32, #tpu.memory_space<vmem>>
      %dma_wait3A_564 = tpu.memref_squeeze %dma_wait3A_563 : memref<1x8x2048xf32, #tpu.memory_space<vmem>> -> memref<8x2048xf32, #tpu.memory_space<vmem>>
      tpu.wait_dma2 semaphore(%run_scoped3A_2 : memref<!tpu.dma_semaphore, #tpu.memory_space<semaphore_mem>>) src(%dma_wait3A_564 : memref<8x2048xf32, #tpu.memory_space<vmem>>) dst(%dma_wait3A_560 : memref<8x2048xf32, #tpu.memory_space<hbm>>)
      tpu.yield
    }) : () -> ()
    return
  }
}

</mosaic_0001>

<sc_bundles>
// kernel: kernel.3.cloned.1.call-start
scs
__scs_entry_jumppad:
0x0: {  	(pc) =	sbr.rel $0x88, $3  }
0x1: {  	(tag) =	ssettag $0x0;
	lr =	simm.s32 $0x1  }
0x2: {  	[smem:$0x3FA0] =	sst lr;
	_ =	strace $0xD0000000  }
0x3: {  	_ = 	snop  }
0x4: {  	_ = 	snop  }
0x5: {  	_ = 	snop  }
0x6: {  	_ = 	snop  }
0x7: {  	_ = 	snop  }
__scs_overlays_trampoline_lowered:
0x8: {  	[smem:$0x3FAF] =	sst s0  }
0x9: {  	[smem:$0x3FB0] =	sst s1  }
0xa: {  	[smem:$0x3FB1] =	sst s2  }
0xb: {  	[smem:$0x3FB2] =	sst s3  }
0xc: {  	[smem:$0x3FB3] =	sst s4  }
0xd: {  	[smem:$0x3FB4] =	sst s5  }
0xe: {  	[smem:$0x3FB5] =	sst s6  }
0xf: {  	[smem:$0x3FB6] =	sst s7  }
0x10: {  	[smem:$0x3FB7] =	sst s8  }
0x11: {  	[smem:$0x3FB8] =	sst s9;
	s0 =	simm.s32 @!p0 $0x0  }
0x12: {  	s1 =	sld [smem:$0x3F9E];
	s0 =	simm.s32 @p0 $0x1  }
0x13: {  	[smem:$0x3FB9] =	sst s0;
	s0 =	simm.s32 @!p1 $0x0  }
0x14: {  	s2 =	sld [smem:$0x3F9D];
	s0 =	simm.s32 @p1 $0x1  }
0x15: {  	[smem:$0x3FBA] =	sst s0;
	s0 =	simm.s32 @!p2 $0x0  }
0x16: {  	s3 =	sld [smem:$0x3FDB];
	s0 =	simm.s32 @p2 $0x1  }
0x17: {  	s4 =	simm.s32 $0x1BF5;
	[smem:$0x3FBC] =	sst s0  }
0x18: {  	s0 =	sld [smem:$0x3F9F];
	_ =	swait.ge [sflag:s4], $0x0  }
0x19: {  	s7 =	sld [smem:$0x3FA0]  }
0x1a: {  	s8 =	sadd.s32 $0xFFFFE003, lr  }
0x1b: {  	s9 =	sadd.s32 $0xFFFFFEF7, lr;
	s5 =	simm.s32 $0xFFFFFFFF;
	p2 =	slt.u32 s8, $0xFFFFF086  }
0x1c: {  	p1 =	slt.u32 s9, $0xF7A;
	s5 =	simm.s32 @!p2 $0x0  }
0x1d: {  	s5 =	simm.s32 @p1 $0x1;
	p0 =	seq.s32 s7, s2  }
0x1e: {  	s7 =	smul.u32 @!p0 $0xF7A, s2;
	p2 =	seq.s32 @!p0 s5, $0x0  }
0x1f: {  	s9 =	smul.u32 $0xF7A, s1;
	s8 =	simm.s32 @!p0 $0x1BF5;
	p2 =	por !p2, p0  }
0x20: {  	[sflag:s8] =	ssyncset.s32 @!p0 $0xFFFFF086;
	s6 =	sadd.s32 @!p0 s3, s7;
	s7 =	simm.s32 @!p0 $0x108  }
0x21: {  	s3 =	sadd.s32 s3, s9;
	s6 =	sadd.s32 @!p0 $0x88, s6;
	s7 =	simm.s32 @p2 $0x1082  }
0x22: {  	[simem:s7], [sflag:s8] =	dma.local @!p0 [hbm:s6], $0xF7A  }
0x23: {  	s9 =	sor.u32 $0xD0000000, s2;
	s6 =	simm.s32 $0x108;
	_ =	swait.ge @!p0 [sflag:s8], $0x0  }
0x24: {  	s3 =	sadd.s32 $0x88, s3;
	s6 =	simm.s32 @!p1 $0x1082;
	[sflag:s4] =	ssyncset.s32 $0xFFFFF086  }
0x25: {  	[simem:s6], [sflag:s4] =	dma.local [hbm:s3], $0xF7A  }
0x26: {  	[smem:$0x3FA0] =	sst s1;
	(tag) =	ssettag s2;
	_ =	strace s9  }
0x27: {  	s1 =	sld [smem:$0x3FB0]  }
0x28: {  	s2 =	sld [smem:$0x3FB1]  }
0x29: {  	s4 =	sld [smem:$0x3FB3]  }
0x2a: {  	p0 =	seq.s32 s5, $0x0;
	s5 =	sld [smem:$0x3FB4]  }
0x2b: {  	s6 =	sld [smem:$0x3FB5]  }
0x2c: {  	s7 =	sld [smem:$0x3FB6]  }
0x2d: {  	s3 =	simm.s32 $0x108;
	s8 =	sld [smem:$0x3FB7]  }
0x2e: {  	s3 =	simm.s32 @!p0 $0x1082;
	s9 =	sld [smem:$0x3FB8]  }
0x2f: {  	lr =	sadd.s32 s0, s3;
	s0 =	sld [smem:$0x3FAF]  }
0x30: {  	s3 =	sld [smem:$0x3FB2]  }
0x31: {  	[smem:$0x3FBB] =	sst s10  }
0x32: {  	s10 =	sld [smem:$0x3FB9];
	_ =	sdelay $0x3  }
0x33: {  	p0 =	seq.s32 s10, $0x1;
	s10 =	sld [smem:$0x3FBB];
	_ =	sdelay $0x3  }
0x34: {  	[smem:$0x3FBB] =	sst s10  }
0x35: {  	s10 =	sld [smem:$0x3FBA];
	_ =	sdelay $0x3  }
0x36: {  	p1 =	seq.s32 s10, $0x1;
	s10 =	sld [smem:$0x3FBB];
	_ =	sdelay $0x3  }
0x37: {  	[smem:$0x3FBB] =	sst s10  }
0x38: {  	s10 =	sld [smem:$0x3FBC]  }
0x39: {  	_ = 	snop;
	(pc) =	sbr.ind lr, $3  }
0x3a: {  	_ = 	snop  }
0x3b: {  	_ = 	snop  }
0x3c: {  	p2 =	seq.s32 s10, $0x1;
	s10 =	sld [smem:$0x3FBB]  }
0x3d: {  	_ =	shalt  }
0x3e: {  	_ =	shalt  }
0x3f: {  	_ =	shalt  }
0x40: {  	_ =	shalt  }
0x41: {  	_ =	shalt  }
0x42: {  	_ =	shalt  }
0x43: {  	_ =	shalt  }
0x44: {  	_ =	shalt  }
0x45: {  	_ =	shalt  }
0x46: {  	_ =	shalt  }
0x47: {  	_ =	shalt  }
0x48: {  	_ =	shalt  }
0x49: {  	_ =	shalt  }
0x4a: {  	_ =	shalt  }
0x4b: {  	_ =	shalt  }
0x4c: {  	_ =	shalt  }
0x4d: {  	_ =	shalt  }
0x4e: {  	_ =	shalt  }
0x4f: {  	_ =	shalt  }
0x50: {  	_ =	shalt  }
0x51: {  	_ =	shalt  }
0x52: {  	_ =	shalt  }
0x53: {  	_ =	shalt  }
0x54: {  	_ =	shalt  }
0x55: {  	_ =	shalt  }
0x56: {  	_ =	shalt  }
0x57: {  	_ =	shalt  }
0x58: {  	_ =	shalt  }
0x59: {  	_ =	shalt  }
0x5a: {  	_ =	shalt  }
0x5b: {  	_ =	shalt  }
0x5c: {  	_ =	shalt  }
0x5d: {  	_ =	shalt  }
0x5e: {  	_ =	shalt  }
0x5f: {  	_ =	shalt  }
0x60: {  	_ =	shalt  }
0x61: {  	_ =	shalt  }
0x62: {  	_ =	shalt  }
0x63: {  	_ =	shalt  }
0x64: {  	_ =	shalt  }
0x65: {  	_ =	shalt  }
0x66: {  	_ =	shalt  }
0x67: {  	_ =	shalt  }
0x68: {  	_ =	shalt  }
0x69: {  	_ =	shalt  }
0x6a: {  	_ =	shalt  }
0x6b: {  	_ =	shalt  }
0x6c: {  	_ =	shalt  }
0x6d: {  	_ =	shalt  }
0x6e: {  	_ =	shalt  }
0x6f: {  	_ =	shalt  }
0x70: {  	_ =	shalt  }
0x71: {  	_ =	shalt  }
0x72: {  	_ =	shalt  }
0x73: {  	_ =	shalt  }
0x74: {  	_ =	shalt  }
0x75: {  	_ =	shalt  }
0x76: {  	_ =	shalt  }
0x77: {  	_ =	shalt  }
0x78: {  	_ =	shalt  }
0x79: {  	_ =	shalt  }
0x7a: {  	_ =	shalt  }
0x7b: {  	_ =	shalt  }
0x7c: {  	_ =	shalt  }
0x7d: {  	_ =	shalt  }
0x7e: {  	_ =	shalt  }
0x7f: {  	_ =	shalt  }
0x80: {  	_ =	shalt  }
0x81: {  	_ =	shalt  }
0x82: {  	_ =	shalt  }
0x83: {  	_ =	shalt  }
0x84: {  	_ =	shalt  }
0x85: {  	_ =	shalt  }
0x86: {  	_ =	shalt  }
0x87: {  	_ =	shalt  }
.Lfunc_end0:
.L_simem_size_0:
called_computation_lowered:
.L_overlay_start_0:
0x88: {  	s1 =	sld [smem:$0x3FD9]  }
0x89: {  	s3 =	sld [smem:$0x3FFE];
	_ =	sdelay $0x1  }
0x8a: {  	s2 =	srdreg.scid  }
0x8b: {  	s0 =	sand.u32 $0x1, s2  }
0x8c: {  	s30 =	sshll.u32 s0, $0xA;
	s1 =	sadd.s32 s3, s1  }
0x8d: {  	s1 =	sadd.s32 s1, s30  }
0x8e: {  	[smem:$0x3FC7] =	sst s1  }
0x8f: {  	_ = 	snop  }
0x90: {  	s1 =	simm.s32 $0x0;
	s4 =	sld [smem:$0x3FC9]  }
0x91: {  	[smem:$0xF] =	sst s1  }
0x92: {  	s31 =	sld [smem:$0x3FD0];
	(tm) =	ssettm $0x1  }
0x93: {  	s5 =	sld [smem:$0x3FFB];
	_ =	sdelay $0x3  }
0x94: {  	_ =	strace s5  }
0x95: {  	s5 =	sld [smem:$0x3FFC];
	_ =	sdelay $0x3  }
0x96: {  	_ =	strace s5  }
0x97: {  	s5 =	sld [smem:$0x3FFD];
	_ =	sdelay $0x3  }
0x98: {  	_ =	strace s5  }
0x99: {  	_ =	strace $0x8FFFFFFF  }
0x9a: {  	s10 =	sld [smem:$0x3FDB];
	_ =	sdelay $0x2  }
0x9b: {  	s6 =	simm.s32 $_scs_section_size;
	s7 =	simm.s32 $_tile_overlayer_lowered  }
0x9c: {  	s11 =	simm.s32 $_size__tile_overlayer_lowered;
	s7 =	sshll.u32 s7, $0x1;
	s5 =	sadd.s32 s6, s10  }
0x9d: {  	s8 =	simm.s32 $0x1BFF;
	s6 =	sshll.u32 s11, $0x1;
	s7 =	sadd.s32 s7, s5  }
0x9e: {  	[timem:s1], [sflag:s8] =	dma.local [hbm:s7], s6  }
0x9f: {  	_ =	swait.ge [sflag:s8], s6  }
0xa0: {  	s6 =	ssub.s32 $0x0, s6;
	[sflag:s8] =	ssyncset.done $0x0  }
0xa1: {  	[sflag:s8] =	ssyncadd.s32 s6;
	_ =	sdelay $0x1  }
0xa2: {  	s12 =	simm.s32 $0x1B8B  }
0xa3: {  	_ =	swait.ge [sflag:s12], $0x1  }
0xa4: {  	[sflag:s12] =	ssyncset.done $0x0  }
0xa5: {  	s13 =	simm.s32 $0x1B8E;
	[sflag:s12] =	ssyncadd.s32 $0xFFFFFFFF  }
0xa6: {  	s14 =	simm.s32 $execute0_lowered;
	[smem:$0x3FD2] =	sst s13  }
0xa7: {  	s6 =	sshll.u32 s14, $0x1;
	_ =	strace $0x80000046;
	[dreg:$0x1] =	wrdreg $0xFFFFFFFF  }
0xa8: {  	s15 =	simm.s32 $_size_execute0_lowered;
	s5 =	sadd.s32 s5, s6;
	[dreg:$0x0] =	wrdreg $0x0  }
0xa9: {  	s6 =	sshll.u32 s15, $0x1;
	[dreg:$0x2] =	wrdreg s5  }
0xaa: {  	[dreg:$0x3] =	wrdreg s6  }
0xab: {  	[dreg:$0x4] =	wrdreg $0xC0  }
0xac: {  	_ =	task [dreg:s1], $0x5FFFF  }
0xad: {  	[dreg:$0x1] =	wrdreg $0xFFFFFFFF  }
0xae: {  	[dreg:$0x0] =	wrdreg $0x60  }
0xaf: {  	s18 =	simm.s32 $0xA;
	s16 =	smul.u32 $0x30000, s0;
	[dreg:$0x2] =	wrdreg s4  }
0xb0: {  	s9 =	simm.s32 $0x8000;
	s10 =	smul.u32 $0x180000, s0;
	[dreg:$0x3] =	wrdreg s31  }
0xb1: {  	s19 =	sor.u32 $0x8000, s16;
	s17 =	sadd.s32 s16, s4;
	[dreg:$0x4] =	wrdreg $0x9  }
0xb2: {  	s20 =	sadd.s32 s19, s4;
	s22 =	sshrl.u32 s10, $0x3;
	_ =	task.clear_ibuf [dreg:s1], $0x5FFFF  }
0xb3: {  	[spmem:s1], [sflag:s18] =	dma.local [hbm:s17], $0x8000  }
0xb4: {  	[spmem:s9], [sflag:s18] =	dma.local [hbm:s20], $0x8000  }
0xb5: {  	s10 =	sadd.s32 $0x10000, s22;
	_ =	swait.ge [sflag:s18], $0x8000  }
0xb6: {  	s21 =	simm.s32 $0xB;
	s11 =	sadd.s32 s10, s4;
	[sflag:s18] =	ssyncset.done $0x0  }
0xb7: {  	s12 =	simm.s32 $0x10000;
	s5 =	sadd.s32 s16, s31;
	[sflag:s18] =	ssyncadd.s32 $0xFFFF8000  }
0xb8: {  	[hbm:s5], [sflag:s21] =	dma.local [spmem:s1], $0x8000  }
0xb9: {  	[spmem:s12], [sflag:s18] =	dma.local [hbm:s11], $0x8000  }
0xba: {  	_ =	swait.ge [sflag:s18], $0x8000  }
0xbb: {  	[sflag:s18] =	ssyncset.done $0x0  }
0xbc: {  	[sflag:s18] =	ssyncadd.s32 $0xFFFF8000  }
0xbd: {  	s6 =	sadd.s32 s19, s31  }
0xbe: {  	[hbm:s6], [sflag:s21] =	dma.local [spmem:s9], $0x8000  }
0xbf: {  	_ =	swait.ge [sflag:s21], $0x8000  }
0xc0: {  	[sflag:s21] =	ssyncset.done $0x0  }
0xc1: {  	s23 =	sadd.s32 $0x18000, s22;
	[sflag:s21] =	ssyncadd.s32 $0xFFFF8000  }
0xc2: {  	s24 =	sadd.s32 s23, s4  }
0xc3: {  	[spmem:s1], [sflag:s18] =	dma.local [hbm:s24], $0x8000  }
0xc4: {  	_ =	swait.ge [sflag:s18], $0x8000  }
0xc5: {  	[sflag:s18] =	ssyncset.done $0x0  }
0xc6: {  	[sflag:s18] =	ssyncadd.s32 $0xFFFF8000  }
0xc7: {  	s10 =	sadd.s32 s10, s31  }
0xc8: {  	[hbm:s10], [sflag:s21] =	dma.local [spmem:s12], $0x8000  }
0xc9: {  	_ =	swait.ge [sflag:s21], $0x8000  }
0xca: {  	[sflag:s21] =	ssyncset.done $0x0  }
0xcb: {  	s25 =	sadd.s32 $0x20000, s22;
	[sflag:s21] =	ssyncadd.s32 $0xFFFF8000  }
0xcc: {  	s26 =	sadd.s32 s25, s4  }
0xcd: {  	[spmem:s9], [sflag:s18] =	dma.local [hbm:s26], $0x8000  }
0xce: {  	_ =	swait.ge [sflag:s18], $0x8000  }
0xcf: {  	[sflag:s18] =	ssyncset.done $0x0  }
0xd0: {  	[sflag:s18] =	ssyncadd.s32 $0xFFFF8000  }
0xd1: {  	s6 =	sadd.s32 s23, s31  }
0xd2: {  	[hbm:s6], [sflag:s21] =	dma.local [spmem:s1], $0x8000  }
0xd3: {  	_ =	swait.ge [sflag:s21], $0x8000  }
0xd4: {  	[sflag:s21] =	ssyncset.done $0x0  }
0xd5: {  	s5 =	sadd.s32 $0x28000, s22;
	[sflag:s21] =	ssyncadd.s32 $0xFFFF8000  }
0xd6: {  	s4 =	sadd.s32 s5, s4  }
0xd7: {  	[spmem:s12], [sflag:s18] =	dma.local [hbm:s4], $0x8000  }
0xd8: {  	_ =	swait.ge [sflag:s18], $0x8000  }
0xd9: {  	[sflag:s18] =	ssyncset.done $0x0  }
0xda: {  	[sflag:s18] =	ssyncadd.s32 $0xFFFF8000  }
0xdb: {  	s28 =	sadd.s32 s25, s31  }
0xdc: {  	[hbm:s28], [sflag:s21] =	dma.local [spmem:s9], $0x8000  }
0xdd: {  	_ =	swait.ge [sflag:s18], $0x8000  }
0xde: {  	[sflag:s18] =	ssyncset.done $0x0  }
0xdf: {  	[sflag:s18] =	ssyncadd.s32 $0xFFFF8000  }
0xe0: {  	s3 =	sadd.s32 s5, s31  }
0xe1: {  	[hbm:s3], [sflag:s21] =	dma.local [spmem:s12], $0x8000  }
0xe2: {  	_ =	swait.ge [sflag:s21], $0x8000  }
0xe3: {  	[sflag:s21] =	ssyncset.done $0x0  }
0xe4: {  	[sflag:s21] =	ssyncadd.s32 $0xFFFF8000;
	_ =	sdelay $0x2  }
0xe5: {  	_ =	swait.ge [sflag:s21], $0x8000  }
0xe6: {  	[sflag:s21] =	ssyncset.done $0x0  }
0xe7: {  	[sflag:s21] =	ssyncadd.s32 $0xFFFF8000;
	_ =	sdelay $0x2  }
0xe8: {  	_ =	swait.ge [sflag:s21], $0x8000  }
0xe9: {  	[sflag:s21] =	ssyncset.done $0x0  }
0xea: {  	[sflag:s21] =	ssyncadd.s32 $0xFFFF8000  }
0xeb: {  	_ =	strace $0x90000046  }
0xec: {  	s29 =	simm.s32 $0x9;
	_ =	strace $0x80000048  }
0xed: {  	_ =	swait.ge [sflag:s29], $0x1  }
0xee: {  	[sflag:s29] =	ssyncadd.s32 $0xFFFFFFFF  }
0xef: {  	_ =	strace $0x90000048  }
0xf0: {  	_ =	sfence  }
0xf1: {  	s30 =	sld [smem:$0x0];
	_ =	sdelay $0x2  }
0xf2: {  	s31 =	sshll.u32 s2, $0xD;
	s2 =	sshrl.u32 s2, $0x2  }
0xf3: {  	s4 =	sand.u32 $0x4000, s31;
	s2 =	sadd.s32 s2, s30  }
0xf4: {  	s0 =	sor.u32 s4, s0;
	s2 =	sshll.u32 s2, $0x11  }
0xf5: {  	s0 =	sor.u32 s2, s0  }
0xf6: {  	s0 =	sadd.s32 $0x8F2B, s0  }
0xf7: {  	[sflag:s0] =	ssyncadd.remote.s32 $0x1  }
0xf8: {  	_ =	sfence.sel $0xFFFF  }
0xf9: {  	[dreg:$0x0] =	wrdreg $0xFFFFFFFF;
	(pc) =	sbr.abs _section_cstart, $3  }
0xfa: {  	[dreg:$0x1] =	wrdreg $0xFFFFFFFF  }
0xfb: {  	_ =	task.clear_ibuf [dreg:s1], $0x2FFFF;
	_ =	strace $0x9FFFFFFF  }
0xfc: {  	(tm) =	ssettm $0x7FFFFFFF  }
0xfd: {  	_ =	shalt  }
tec
execute0_lowered:
.L_overlay_start_1:
0x0: {  	(tag) =	ssettag $0x1  }
0x1: {  	s1 =	srdreg.scid;
	s0 =	stileid.u32  }
0x2: {  	s30 =	sand.u32 $0x1, s1;
	s25 =	sshll.u32 s0, $0x1  }
0x3: {  	s1 =	sor.u32 s30, s25  }
0x4: {  	s3 =	smul.u32 $0x28000, s1  }
0x5: {  	s26 =	rddreg [dreg:$0x0]  }
0x6: {  	s29 =	rddreg [dreg:$0x1];
	s2 =	simm.s32 $0x0;
	s28 =	sshrl.u32 s3, $0x3  }
0x7: {  	s4 =	simm.s32 $0xC000;
	[smem:$0x7FF] =	sst s2;
	s8 =	sadd.s32 $0x60000, s28  }
0x8: {  	_ =	strace $0x80000047;
	s11 =	sadd.s32 $0x60800, s28;
	s3 =	sadd.s32 s26, s8  }
0x9: {  	[tilespmem:s4], [sflag:$0x1] =	stream.linear.gather [hbm4b:s3+s2], $0x4000, $0x38;
	[tilespmem:$0x1C000] =	vst v63  }
0xa: {  	s6 =	simm.s32 $0x10000;
	s7 =	simm.s32 $0x1;
	s5 =	sadd.s32 s26, s11  }
0xb: {  	[tilespmem:s6], [sflag:$0x1] =	stream.linear.gather [hbm4b:s5+s2], $0x4000, $0x38;
	[tilespmem:$0x1C000] =	vst v63  }
0xc: {  	_ =	swait.ge [sflag:s7], $0x4000  }
0xd: {  	[sflag:s7] =	ssyncset.done $0x0  }
0xe: {  	s14 =	sadd.s32 $0x61000, s28;
	s8 =	sadd.s32 s29, s8;
	[sflag:s7] =	ssyncadd.s32 $0xFFFFC000  }
0xf: {  	[hbm4b:s8+s2] =	stream.linear.scatter [tilespmem:s4], [sflag:$0x2], $0x4000, $0x38;
	[tilespmem:$0x1C000] =	vst v63  }
0x10: {  	s10 =	simm.s32 $0x14000;
	s9 =	sadd.s32 s26, s14  }
0x11: {  	[tilespmem:s10], [sflag:$0x1] =	stream.linear.gather [hbm4b:s9+s2], $0x4000, $0x38;
	[tilespmem:$0x1C000] =	vst v63  }
0x12: {  	_ =	swait.ge [sflag:s7], $0x4000  }
0x13: {  	[sflag:s7] =	ssyncset.done $0x0  }
0x14: {  	s17 =	sadd.s32 $0x61800, s28;
	s11 =	sadd.s32 s29, s11;
	[sflag:s7] =	ssyncadd.s32 $0xFFFFC000  }
0x15: {  	[hbm4b:s11+s2] =	stream.linear.scatter [tilespmem:s6], [sflag:$0x2], $0x4000, $0x38;
	[tilespmem:$0x1C000] =	vst v63  }
0x16: {  	s13 =	simm.s32 $0x18000;
	s12 =	sadd.s32 s26, s17  }
0x17: {  	[tilespmem:s13], [sflag:$0x1] =	stream.linear.gather [hbm4b:s12+s2], $0x4000, $0x38;
	[tilespmem:$0x1C000] =	vst v63  }
0x18: {  	_ =	swait.ge [sflag:s7], $0x4000  }
0x19: {  	[sflag:s7] =	ssyncset.done $0x0  }
0x1a: {  	s15 =	sadd.s32 s29, s14;
	s14 =	simm.s32 $0x2;
	[sflag:s7] =	ssyncadd.s32 $0xFFFFC000  }
0x1b: {  	[hbm4b:s15+s2] =	stream.linear.scatter [tilespmem:s10], [sflag:$0x2], $0x4000, $0x38;
	[tilespmem:$0x1C000] =	vst v63  }
0x1c: {  	_ =	swait.ge [sflag:s14], $0x4000  }
0x1d: {  	s19 =	sadd.s32 $0x62000, s28;
	[sflag:s14] =	ssyncset.done $0x0  }
0x1e: {  	s16 =	sadd.s32 s26, s19;
	[sflag:s14] =	ssyncadd.s32 $0xFFFFC000  }
0x1f: {  	[tilespmem:s4], [sflag:$0x1] =	stream.linear.gather [hbm4b:s16+s2], $0x4000, $0x38;
	[tilespmem:$0x1C000] =	vst v63  }
0x20: {  	_ =	swait.ge [sflag:s7], $0x4000  }
0x21: {  	[sflag:s7] =	ssyncset.done $0x0  }
0x22: {  	s17 =	sadd.s32 s29, s17;
	[sflag:s7] =	ssyncadd.s32 $0xFFFFC000  }
0x23: {  	[hbm4b:s17+s2] =	stream.linear.scatter [tilespmem:s13], [sflag:$0x2], $0x4000, $0x38;
	[tilespmem:$0x1C000] =	vst v63  }
0x24: {  	_ =	swait.ge [sflag:s14], $0x4000  }
0x25: {  	s21 =	sadd.s32 $0x62800, s28;
	[sflag:s14] =	ssyncset.done $0x0  }
0x26: {  	s18 =	sadd.s32 s26, s21;
	[sflag:s14] =	ssyncadd.s32 $0xFFFFC000  }
0x27: {  	[tilespmem:s6], [sflag:$0x1] =	stream.linear.gather [hbm4b:s18+s2], $0x4000, $0x38;
	[tilespmem:$0x1C000] =	vst v63  }
0x28: {  	_ =	swait.ge [sflag:s7], $0x4000  }
0x29: {  	[sflag:s7] =	ssyncset.done $0x0  }
0x2a: {  	s19 =	sadd.s32 s29, s19;
	[sflag:s7] =	ssyncadd.s32 $0xFFFFC000  }
0x2b: {  	[hbm4b:s19+s2] =	stream.linear.scatter [tilespmem:s4], [sflag:$0x2], $0x4000, $0x38;
	[tilespmem:$0x1C000] =	vst v63  }
0x2c: {  	_ =	swait.ge [sflag:s14], $0x4000  }
0x2d: {  	s23 =	sadd.s32 $0x63000, s28;
	[sflag:s14] =	ssyncset.done $0x0  }
0x2e: {  	s20 =	sadd.s32 s26, s23;
	[sflag:s14] =	ssyncadd.s32 $0xFFFFC000  }
0x2f: {  	[tilespmem:s10], [sflag:$0x1] =	stream.linear.gather [hbm4b:s20+s2], $0x4000, $0x38;
	[tilespmem:$0x1C000] =	vst v63  }
0x30: {  	_ =	swait.ge [sflag:s7], $0x4000  }
0x31: {  	[sflag:s7] =	ssyncset.done $0x0  }
0x32: {  	s21 =	sadd.s32 s29, s21;
	[sflag:s7] =	ssyncadd.s32 $0xFFFFC000  }
0x33: {  	[hbm4b:s21+s2] =	stream.linear.scatter [tilespmem:s6], [sflag:$0x2], $0x4000, $0x38;
	[tilespmem:$0x1C000] =	vst v63  }
0x34: {  	_ =	swait.ge [sflag:s14], $0x4000  }
0x35: {  	s25 =	sadd.s32 $0x63800, s28;
	[sflag:s14] =	ssyncset.done $0x0  }
0x36: {  	s22 =	sadd.s32 s26, s25;
	[sflag:s14] =	ssyncadd.s32 $0xFFFFC000  }
0x37: {  	[tilespmem:s13], [sflag:$0x1] =	stream.linear.gather [hbm4b:s22+s2], $0x4000, $0x38;
	[tilespmem:$0x1C000] =	vst v63  }
0x38: {  	_ =	swait.ge [sflag:s7], $0x4000  }
0x39: {  	[sflag:s7] =	ssyncset.done $0x0  }
0x3a: {  	s23 =	sadd.s32 s29, s23;
	[sflag:s7] =	ssyncadd.s32 $0xFFFFC000  }
0x3b: {  	[hbm4b:s23+s2] =	stream.linear.scatter [tilespmem:s10], [sflag:$0x2], $0x4000, $0x38;
	[tilespmem:$0x1C000] =	vst v63  }
0x3c: {  	_ =	swait.ge [sflag:s14], $0x4000  }
0x3d: {  	s31 =	sadd.s32 $0x64000, s28;
	[sflag:s14] =	ssyncset.done $0x0  }
0x3e: {  	s24 =	sadd.s32 s26, s31;
	[sflag:s14] =	ssyncadd.s32 $0xFFFFC000  }
0x3f: {  	[tilespmem:s4], [sflag:$0x1] =	stream.linear.gather [hbm4b:s24+s2], $0x4000, $0x38;
	[tilespmem:$0x1C000] =	vst v63  }
0x40: {  	_ =	swait.ge [sflag:s7], $0x4000  }
0x41: {  	[sflag:s7] =	ssyncset.done $0x0  }
0x42: {  	s25 =	sadd.s32 s29, s25;
	[sflag:s7] =	ssyncadd.s32 $0xFFFFC000  }
0x43: {  	[hbm4b:s25+s2] =	stream.linear.scatter [tilespmem:s13], [sflag:$0x2], $0x4000, $0x38;
	[tilespmem:$0x1C000] =	vst v63  }
0x44: {  	_ =	swait.ge [sflag:s14], $0x4000  }
0x45: {  	s1 =	sadd.s32 $0x64800, s28;
	[sflag:s14] =	ssyncset.done $0x0  }
0x46: {  	s26 =	sadd.s32 s26, s1;
	[sflag:s14] =	ssyncadd.s32 $0xFFFFC000  }
0x47: {  	[tilespmem:s6], [sflag:$0x1] =	stream.linear.gather [hbm4b:s26+s2], $0x4000, $0x38;
	[tilespmem:$0x1C000] =	vst v63  }
0x48: {  	_ =	swait.ge [sflag:s7], $0x4000  }
0x49: {  	[sflag:s7] =	ssyncset.done $0x0  }
0x4a: {  	s28 =	sadd.s32 s29, s31;
	[sflag:s7] =	ssyncadd.s32 $0xFFFFC000  }
0x4b: {  	[hbm4b:s28+s2] =	stream.linear.scatter [tilespmem:s4], [sflag:$0x2], $0x4000, $0x38;
	[tilespmem:$0x1C000] =	vst v63  }
0x4c: {  	_ =	swait.ge [sflag:s7], $0x4000  }
0x4d: {  	[sflag:s7] =	ssyncset.done $0x0  }
0x4e: {  	s29 =	sadd.s32 s29, s1;
	[sflag:s7] =	ssyncadd.s32 $0xFFFFC000  }
0x4f: {  	[hbm4b:s29+s2] =	stream.linear.scatter [tilespmem:s6], [sflag:$0x2], $0x4000, $0x38;
	[tilespmem:$0x1C000] =	vst v63  }
0x50: {  	_ =	swait.ge [sflag:s14], $0x4000  }
0x51: {  	s31 =	ssub.s32 $0x2, s30;
	[sflag:s14] =	ssyncset.done $0x0  }
0x52: {  	s30 =	sshrl.u32 s31, $0x1;
	[sflag:s14] =	ssyncadd.s32 $0xFFFFC000  }
0x53: {  	s1 =	ssub.s32 s31, s30;
	_ =	swait.ge [sflag:s14], $0x4000  }
0x54: {  	s1 =	smax.u32 s1, $0x1;
	[sflag:s14] =	ssyncset.done $0x0  }
0x55: {  	p0 =	sne.s32 s1, $0x1;
	[sflag:s14] =	ssyncadd.s32 $0xFFFFC000  }
.Ltmp0:
0x56: {  	_ =	swait.ge [sflag:s14], $0x4000;
	(pc) =	sbr.rel @!p0 .LBB2_2-.Ltmp0, $4  }
0x57: {  	[sflag:s14] =	ssyncset.done $0x0  }
0x58: {  	[sflag:s14] =	ssyncadd.s32 $0xFFFFC000  }
0x59: {  	_ =	swait.ge [sflag:s14], $0x4000  }
0x5a: {  	s30 =	sadd.s32 $0xFFFFFFFF, s1;
	[sflag:s14] =	ssyncset.done $0x0  }
.LBB2_1:
0x5b: {  	p0 =	sne.s32 s30, $0x1;
	s30 =	sadd.s32 $0xFFFFFFFF, s30;
	[sflag:s14] =	ssyncadd.s32 $0xFFFFC000  }
0x5c: {  	[tilespmem:s4], [sflag:$0x1] =	stream.linear.gather [hbm4b:s3+s2], $0x4000, $0x38;
	[tilespmem:$0x1C000] =	vst v63  }
0x5d: {  	_ = 	snop  }
0x5e: {  	[tilespmem:s6], [sflag:$0x1] =	stream.linear.gather [hbm4b:s5+s2], $0x4000, $0x38;
	[tilespmem:$0x1C000] =	vst v63  }
0x5f: {  	_ =	swait.ge [sflag:s7], $0x4000  }
0x60: {  	[sflag:s7] =	ssyncset.done $0x0  }
0x61: {  	[sflag:s7] =	ssyncadd.s32 $0xFFFFC000  }
0x62: {  	[hbm4b:s8+s2] =	stream.linear.scatter [tilespmem:s4], [sflag:$0x2], $0x4000, $0x38;
	[tilespmem:$0x1C000] =	vst v63  }
0x63: {  	_ = 	snop  }
0x64: {  	[tilespmem:s10], [sflag:$0x1] =	stream.linear.gather [hbm4b:s9+s2], $0x4000, $0x38;
	[tilespmem:$0x1C000] =	vst v63  }
0x65: {  	_ =	swait.ge [sflag:s7], $0x4000  }
0x66: {  	[sflag:s7] =	ssyncset.done $0x0  }
0x67: {  	[sflag:s7] =	ssyncadd.s32 $0xFFFFC000  }
0x68: {  	[hbm4b:s11+s2] =	stream.linear.scatter [tilespmem:s6], [sflag:$0x2], $0x4000, $0x38;
	[tilespmem:$0x1C000] =	vst v63  }
0x69: {  	_ = 	snop  }
0x6a: {  	[tilespmem:s13], [sflag:$0x1] =	stream.linear.gather [hbm4b:s12+s2], $0x4000, $0x38;
	[tilespmem:$0x1C000] =	vst v63  }
0x6b: {  	_ =	swait.ge [sflag:s7], $0x4000  }
0x6c: {  	[sflag:s7] =	ssyncset.done $0x0  }
0x6d: {  	[sflag:s7] =	ssyncadd.s32 $0xFFFFC000  }
0x6e: {  	[hbm4b:s15+s2] =	stream.linear.scatter [tilespmem:s10], [sflag:$0x2], $0x4000, $0x38;
	[tilespmem:$0x1C000] =	vst v63  }
0x6f: {  	_ =	swait.ge [sflag:s14], $0x4000  }
0x70: {  	[sflag:s14] =	ssyncset.done $0x0  }
0x71: {  	[sflag:s14] =	ssyncadd.s32 $0xFFFFC000  }
0x72: {  	[tilespmem:s4], [sflag:$0x1] =	stream.linear.gather [hbm4b:s16+s2], $0x4000, $0x38;
	[tilespmem:$0x1C000] =	vst v63  }
0x73: {  	_ =	swait.ge [sflag:s7], $0x4000  }
0x74: {  	[sflag:s7] =	ssyncset.done $0x0  }
0x75: {  	[sflag:s7] =	ssyncadd.s32 $0xFFFFC000  }
0x76: {  	[hbm4b:s17+s2] =	stream.linear.scatter [tilespmem:s13], [sflag:$0x2], $0x4000, $0x38;
	[tilespmem:$0x1C000] =	vst v63  }
0x77: {  	_ =	swait.ge [sflag:s14], $0x4000  }
0x78: {  	[sflag:s14] =	ssyncset.done $0x0  }
0x79: {  	[sflag:s14] =	ssyncadd.s32 $0xFFFFC000  }
0x7a: {  	[tilespmem:s6], [sflag:$0x1] =	stream.linear.gather [hbm4b:s18+s2], $0x4000, $0x38;
	[tilespmem:$0x1C000] =	vst v63  }
0x7b: {  	_ =	swait.ge [sflag:s7], $0x4000  }
0x7c: {  	[sflag:s7] =	ssyncset.done $0x0  }
0x7d: {  	[sflag:s7] =	ssyncadd.s32 $0xFFFFC000  }
0x7e: {  	[hbm4b:s19+s2] =	stream.linear.scatter [tilespmem:s4], [sflag:$0x2], $0x4000, $0x38;
	[tilespmem:$0x1C000] =	vst v63  }
0x7f: {  	_ =	swait.ge [sflag:s14], $0x4000  }
0x80: {  	[sflag:s14] =	ssyncset.done $0x0  }
0x81: {  	[sflag:s14] =	ssyncadd.s32 $0xFFFFC000  }
0x82: {  	[tilespmem:s10], [sflag:$0x1] =	stream.linear.gather [hbm4b:s20+s2], $0x4000, $0x38;
	[tilespmem:$0x1C000] =	vst v63  }
0x83: {  	_ =	swait.ge [sflag:s7], $0x4000  }
0x84: {  	[sflag:s7] =	ssyncset.done $0x0  }
0x85: {  	[sflag:s7] =	ssyncadd.s32 $0xFFFFC000  }
0x86: {  	[hbm4b:s21+s2] =	stream.linear.scatter [tilespmem:s6], [sflag:$0x2], $0x4000, $0x38;
	[tilespmem:$0x1C000] =	vst v63  }
0x87: {  	_ =	swait.ge [sflag:s14], $0x4000  }
0x88: {  	[sflag:s14] =	ssyncset.done $0x0  }
0x89: {  	[sflag:s14] =	ssyncadd.s32 $0xFFFFC000  }
0x8a: {  	[tilespmem:s13], [sflag:$0x1] =	stream.linear.gather [hbm4b:s22+s2], $0x4000, $0x38;
	[tilespmem:$0x1C000] =	vst v63  }
0x8b: {  	_ =	swait.ge [sflag:s7], $0x4000  }
0x8c: {  	[sflag:s7] =	ssyncset.done $0x0  }
0x8d: {  	[sflag:s7] =	ssyncadd.s32 $0xFFFFC000  }
0x8e: {  	[hbm4b:s23+s2] =	stream.linear.scatter [tilespmem:s10], [sflag:$0x2], $0x4000, $0x38;
	[tilespmem:$0x1C000] =	vst v63  }
0x8f: {  	_ =	swait.ge [sflag:s14], $0x4000  }
0x90: {  	[sflag:s14] =	ssyncset.done $0x0  }
0x91: {  	[sflag:s14] =	ssyncadd.s32 $0xFFFFC000  }
0x92: {  	[tilespmem:s4], [sflag:$0x1] =	stream.linear.gather [hbm4b:s24+s2], $0x4000, $0x38;
	[tilespmem:$0x1C000] =	vst v63  }
0x93: {  	_ =	swait.ge [sflag:s7], $0x4000  }
0x94: {  	[sflag:s7] =	ssyncset.done $0x0  }
0x95: {  	[sflag:s7] =	ssyncadd.s32 $0xFFFFC000  }
0x96: {  	[hbm4b:s25+s2] =	stream.linear.scatter [tilespmem:s13], [sflag:$0x2], $0x4000, $0x38;
	[tilespmem:$0x1C000] =	vst v63  }
0x97: {  	_ =	swait.ge [sflag:s14], $0x4000  }
0x98: {  	[sflag:s14] =	ssyncset.done $0x0  }
0x99: {  	[sflag:s14] =	ssyncadd.s32 $0xFFFFC000  }
0x9a: {  	[tilespmem:s6], [sflag:$0x1] =	stream.linear.gather [hbm4b:s26+s2], $0x4000, $0x38;
	[tilespmem:$0x1C000] =	vst v63  }
0x9b: {  	_ =	swait.ge [sflag:s7], $0x4000  }
0x9c: {  	[sflag:s7] =	ssyncset.done $0x0  }
0x9d: {  	[sflag:s7] =	ssyncadd.s32 $0xFFFFC000  }
0x9e: {  	[hbm4b:s28+s2] =	stream.linear.scatter [tilespmem:s4], [sflag:$0x2], $0x4000, $0x38;
	[tilespmem:$0x1C000] =	vst v63  }
0x9f: {  	_ =	swait.ge [sflag:s7], $0x4000  }
0xa0: {  	[sflag:s7] =	ssyncset.done $0x0  }
0xa1: {  	[sflag:s7] =	ssyncadd.s32 $0xFFFFC000  }
0xa2: {  	[hbm4b:s29+s2] =	stream.linear.scatter [tilespmem:s6], [sflag:$0x2], $0x4000, $0x38;
	[tilespmem:$0x1C000] =	vst v63  }
0xa3: {  	_ =	swait.ge [sflag:s14], $0x4000  }
0xa4: {  	[sflag:s14] =	ssyncset.done $0x0  }
0xa5: {  	[sflag:s14] =	ssyncadd.s32 $0xFFFFC000  }
0xa6: {  	_ =	swait.ge [sflag:s14], $0x4000  }
0xa7: {  	[sflag:s14] =	ssyncset.done $0x0  }
0xa8: {  	[sflag:s14] =	ssyncadd.s32 $0xFFFFC000  }
.Ltmp1:
0xa9: {  	_ =	swait.ge [sflag:s14], $0x4000;
	(pc) =	sbr.rel @p0 .LBB2_1-.Ltmp1, $4  }
0xaa: {  	[sflag:s14] =	ssyncset.done $0x0  }
0xab: {  	[sflag:s14] =	ssyncadd.s32 $0xFFFFC000  }
0xac: {  	_ =	swait.ge [sflag:s14], $0x4000  }
0xad: {  	[sflag:s14] =	ssyncset.done $0x0  }
.LBB2_2:
0xae: {  	[sflag:s14] =	ssyncadd.s32 $0xFFFFC000  }
0xaf: {  	_ =	sfence.sel $0x180000  }
0xb0: {  	[bflag:$0x0] =	sbarrier.arrive $0xFFFF  }
0xb1: {  	_ =	strace $0x90000047  }
0xb2: {  	[bflag:$0x2] =	sbarrier.arrive $0xFFFF  }
0xb3: {  	p0 =	sne.s32 s0, $0x0;
	s0 =	rddreg [dreg:$0x2]  }
0xb4: {  	s0 =	sadd.s32 @!p0 $0x100000, s0  }
0xb5: {  	[sflag:s0] =	ssyncadd.tile.s32 @!p0 $0x1;
	_ =	shalt  }
.Lfunc_end2:
_tile_overlayer_lowered:
.L_overlay_start_2:
0xb6: {  	(tag) =	ssettag $0x2  }
0xb7: {  	s0 =	rddreg [dreg:$0x0];
	s2 =	stileid.u32  }
0xb8: {  	s1 =	rddreg [dreg:$0x1];
	p0 =	sne.s32 s2, $0x0  }
0xb9: {  	s3 =	rddreg [dreg:$0x2];
	[bflag:$0x3] =	sbarrier.arrive $0xFFFF;
	s2 =	simm.s32 @!p0 $0x1C01  }
0xba: {  	[timem:s3], [sflag:s2] =	dma.local @!p0 [hbm:s0], s1  }
0xbb: {  	s0 =	simm.s32 @!p0 $0x1  }
0xbc: {  	_ =	swait.ge @!p0 [sflag:s0], s1  }
0xbd: {  	s1 =	ssub.s32 @!p0 $0x0, s1;
	[sflag:s0] =	ssyncset.done @!p0 $0x0  }
0xbe: {  	[sflag:s0] =	ssyncadd.s32 @!p0 s1  }
0xbf: {  	[bflag:$0x3] =	sbarrier.arrive $0xFFFF  }
0xc0: {  	_ =	shalt  }

</sc_bundles>
